<compile_context>
chip_gen: v7x
topology: tpu7x:2x2x1
jax: 0.10.2.dev20260603
libtpu: 0.0.44.dev20260713+nightly
codegen_flags: <defaults>
</compile_context>

<pallas_src>
import functools

import jax
import jax.numpy as jnp
from jax import lax
from jax.experimental import pallas as pl
from jax.experimental.pallas import tpu as pltpu
from jax.experimental.pallas import tpu_sc as plsc

B = 16
D = 64
HW = 1024
N = 1024
BETA = 0.25

NC = 2
NS = 16
L = 16
DPT = D // 2


def _tc_body(z_ref, w_ref, idx_ref, acc_ref):
    b = pl.program_id(0)
    zc = z_ref[0]
    w = w_ref[...]
    wsq = jnp.sum(w * w, axis=1, keepdims=True)
    dots2 = jax.lax.dot_general(
        -2.0 * w, zc, (((1,), (0,)), ((), ())),
        preferred_element_type=jnp.float32)
    dist_t = wsq + dots2
    min_d = jnp.min(dist_t, axis=0, keepdims=True)
    iota_t = jax.lax.broadcasted_iota(jnp.int32, (N, HW), 0)
    idx = jnp.min(jnp.where(dist_t == min_d, iota_t, N), axis=0)
    idx_ref[0, 0] = idx
    val = jnp.sum(min_d) + jnp.sum(zc * zc)

    @pl.when(b == 0)
    def _():
        acc_ref[0, 0] = val

    @pl.when(b > 0)
    def _():
        acc_ref[0, 0] += val


def _sc_body(wt_hbm, idx_hbm, zq_hbm, div_hbm,
             idx_v, wt_v, out_v, bm_v, div_v):
    wid = lax.axis_index("s") * NC + lax.axis_index("c")
    b = wid // 2
    h = wid % 2
    d0 = h * DPT
    pltpu.sync_copy(idx_hbm.at[b], idx_v)
    pltpu.sync_copy(wt_hbm.at[pl.ds(d0 * N, DPT * N)], wt_v)

    def gbody(i, c):
        idx16 = idx_v[pl.ds(i * L, L)]
        for r in range(DPT):
            fidx = idx16 + jnp.int32(r * N)
            out_v[pl.ds(r * HW + i * L, L)] = plsc.load_gather(wt_v, [fidx])
        return c

    lax.fori_loop(0, HW // L, gbody, 0)
    pltpu.sync_copy(out_v, zq_hbm.at[b, pl.ds(d0 * HW, DPT * HW)])


    @pl.when(h == 0)
    def _():
        def zbody(i, c):
            bm_v[pl.ds(i * L, L)] = jnp.zeros((L,), jnp.float32)
            return c

        lax.fori_loop(0, N // L, zbody, 0)

        def sbody(i, c):
            idx16 = idx_v[pl.ds(i * L, L)]
            plsc.store_scatter(bm_v, [idx16], jnp.ones((L,), jnp.float32))
            return c

        lax.fori_loop(0, HW // L, sbody, 0)

        def cbody(i, a):
            return a + bm_v[pl.ds(i * L, L)]

        acc16 = lax.fori_loop(0, N // L, cbody, jnp.zeros((L,), jnp.float32))
        cnt = jnp.sum(acc16)
        div_v[...] = jnp.full((L,), cnt, jnp.float32)
        pltpu.sync_copy(div_v, div_hbm.at[b])


def kernel(z, weight):
    zr = z.reshape(B, D, HW)
    idx, acc = pl.pallas_call(
        _tc_body,
        grid=(B,),
        in_specs=[
            pl.BlockSpec((1, D, HW), lambda b: (b, 0, 0)),
            pl.BlockSpec((N, D), lambda b: (0, 0)),
        ],
        out_specs=[
            pl.BlockSpec((1, 1, HW), lambda b: (b, 0, 0)),
            pl.BlockSpec(memory_space=pltpu.SMEM),
        ],
        out_shape=[
            jax.ShapeDtypeStruct((B, 1, HW), jnp.int32),
            jax.ShapeDtypeStruct((1, 1), jnp.float32),
        ],
        compiler_params=pltpu.CompilerParams(
            dimension_semantics=("arbitrary",),
        ),
    )(zr, weight)

    mesh = plsc.VectorSubcoreMesh(core_axis_name="c", subcore_axis_name="s")
    sc_call = pl.kernel(
        _sc_body,
        out_type=[
            jax.ShapeDtypeStruct((B, D * HW), jnp.float32),
            jax.ShapeDtypeStruct((B, L), jnp.float32),
        ],
        mesh=mesh,
        compiler_params=pltpu.CompilerParams(needs_layout_passes=False),
        scratch_types=[
            pltpu.VMEM((HW,), jnp.int32),
            pltpu.VMEM((DPT * N,), jnp.float32),
            pltpu.VMEM((DPT * HW,), jnp.float32),
            pltpu.VMEM((N,), jnp.float32),
            pltpu.VMEM((L,), jnp.float32),
        ],
    )
    wt = weight.T.reshape(D * N)
    zq, divv = sc_call(wt, idx.reshape(B, HW))

    z_q_out = zq.reshape(B, D, 32, 32)
    index = idx.reshape(B, 32, 32)
    loss = acc[0, 0] * ((1.0 + BETA) / (B * HW * D))
    diversity = jnp.sum(divv[:, 0]) / (B * HW)
    return z_q_out, index, loss, diversity

# --- scband reference (transcript-rebuilt; emitter-appended) ---
"""Pipeline reference for scband-vector-quantizer-13383118094409 (READ-ONLY COPY).

The authoritative reference and input builder live on the scoring server;
editing this copy changes nothing except your own understanding.
"""

import jax, jax.numpy as jnp
import numpy as np

NUM_EMBEDDINGS = 1024
EMBEDDING_DIM = 64
BETA = 0.25


def setup_inputs(seed: int = 0) -> dict:
    key = jax.random.key(seed)
    k1, k2 = jax.random.split(key)
    z = jax.random.normal(k1, (16, EMBEDDING_DIM, 32, 32), dtype=jnp.float32)
    weight = jax.random.normal(k2, (NUM_EMBEDDINGS, EMBEDDING_DIM), dtype=jnp.float32) * 0.02
    return {"z": z, "weight": weight}


def reference(z, weight):
    # channel_last: [B, d, H, W] -> [B, H, W, d]
    zl = jnp.transpose(z, (0, 2, 3, 1))
    # nearest-neighbor distances (up to constant |z|^2 term, same as torch code)
    d = jnp.sum(weight ** 2, axis=1) - 2.0 * jnp.einsum('bhwd,nd->bhwn', zl, weight)
    index = jnp.argmin(d, axis=-1)  # [B, H, W]
    z_q = jnp.take(weight, index, axis=0)  # embedding lookup [B, H, W, d]
    loss = jnp.mean((jax.lax.stop_gradient(z_q) - zl) ** 2) + BETA * jnp.mean((z_q - jax.lax.stop_gradient(zl)) ** 2)
    # straight-through estimator
    z_q_st = zl + jax.lax.stop_gradient(z_q - zl)
    # diversity: sum over batch of unique codes used, normalized by total tokens
    B, H, W = index.shape
    counts = jax.vmap(lambda ix: jnp.bincount(ix.reshape(-1), length=NUM_EMBEDDINGS))(index)
    diversity = jnp.sum(counts > 0).astype(jnp.float32) / float(B * H * W)
    # channel_first: [B, H, W, d] -> [B, d, H, W]
    z_q_out = jnp.transpose(z_q_st, (0, 3, 1, 2))
    return z_q_out, index, loss, diversity

if __name__ == "__main__":
    import jax
    _d = setup_inputs()
    print(jax.jit(kernel)(*tuple(_d.values())))

</pallas_src>

<mosaic_0001>
#map = affine_map<(d0, d1) -> (0)>
#map1 = affine_map<(d0, d1) -> (0, 0)>
module attributes {stable_mosaic.version = 14 : i64} {
  func.func @_sc_body(%arg0: i32, %arg1: i32, %arg2: memref<65536xf32, #tpu.memory_space<hbm>>, %arg3: memref<16x1024xi32, #tpu.memory_space<hbm>>, %arg4: memref<16x65536xf32, #tpu.memory_space<hbm>>, %arg5: memref<16x16xf32, #tpu.memory_space<hbm>>, %arg6: memref<1024xi32, #tpu.memory_space<vmem>>, %arg7: memref<32768xf32, #tpu.memory_space<vmem>>, %arg8: memref<32768xf32, #tpu.memory_space<vmem>>, %arg9: memref<1024xf32, #tpu.memory_space<vmem>>, %arg10: memref<16xf32, #tpu.memory_space<vmem>>) attributes {dimension_semantics = [#tpu.dimension_semantics<core_parallel>, #tpu.dimension_semantics<subcore_parallel>], iteration_bounds = array<i64: 2, 16>, scalar_prefetch = 0 : i64, scratch_operands = 5 : i64, tpu.core_type = #tpu.core_type<sc_vector_subcore>, window_params = [{transform_indices = #map}, {transform_indices = #map1}, {transform_indices = #map1}, {transform_indices = #map1}]} {
    %mul3A = arith.constant 2 : i32
    %mul3A_0 = arith.muli %arg1, %mul3A : i32
    %add3A = arith.addi %mul3A_0, %arg0 : i32
    %jit3A = arith.constant 2 : i32
    %div3A = arith.divsi %add3A, %jit3A : i32
    %sign3A = arith.constant 0 : i32
    %sign3A_1 = arith.cmpi sgt, %add3A, %sign3A : i32
    %sign3A_2 = arith.extui %sign3A_1 : i1 to i32
    %sign3A_3 = arith.constant 0 : i32
    %sign3A_4 = arith.cmpi slt, %add3A, %sign3A_3 : i32
    %sign3A_5 = arith.extui %sign3A_4 : i1 to i32
    %sign3A_6 = arith.subi %sign3A_2, %sign3A_5 : i32
    %sign3A_7 = arith.constant 0 : i32
    %sign3A_8 = arith.cmpi sgt, %jit3A, %sign3A_7 : i32
    %sign3A_9 = arith.extui %sign3A_8 : i1 to i32
    %sign3A_10 = arith.constant 0 : i32
    %sign3A_11 = arith.cmpi slt, %jit3A, %sign3A_10 : i32
    %sign3A_12 = arith.extui %sign3A_11 : i1 to i32
    %sign3A_13 = arith.subi %sign3A_9, %sign3A_12 : i32
    %ne3A = arith.cmpi ne, %sign3A_6, %sign3A_13 : i32
    %rem3A = arith.remsi %add3A, %jit3A : i32
    %ne3A_14 = arith.constant 0 : i32
    %ne3A_15 = arith.cmpi ne, %rem3A, %ne3A_14 : i32
    %and3A = arith.andi %ne3A, %ne3A_15 : i1
    %sub3A = arith.constant 1 : i32
    %sub3A_16 = arith.subi %div3A, %sub3A : i32
    %select_n3A = arith.select %and3A, %sub3A_16, %div3A : i32
    %jit3A_17 = arith.constant 2 : i32
    %eq3A = arith.constant 0 : i32
    %eq3A_18 = arith.cmpi eq, %jit3A_17, %eq3A : i32
    %jit3A_19 = arith.constant 1 : i32
    %select_n3A_20 = arith.select %eq3A_18, %jit3A_19, %jit3A_17 : i32
    %rem3A_21 = arith.remsi %add3A, %select_n3A_20 : i32
    %ne3A_22 = arith.constant 0 : i32
    %ne3A_23 = arith.cmpi ne, %rem3A_21, %ne3A_22 : i32
    %lt3A = arith.constant 0 : i32
    %lt3A_24 = arith.cmpi slt, %rem3A_21, %lt3A : i32
    %lt3A_25 = arith.constant 0 : i32
    %lt3A_26 = arith.cmpi slt, %select_n3A_20, %lt3A_25 : i32
    %ne3A_27 = arith.xori %lt3A_24, %lt3A_26 : i1
    %and3A_28 = arith.andi %ne3A_27, %ne3A_23 : i1
    %add3A_29 = arith.addi %rem3A_21, %select_n3A_20 : i32
    %select_n3A_30 = arith.select %and3A_28, %add3A_29, %rem3A_21 : i32
    %mul3A_31 = arith.constant 32 : i32
    %mul3A_32 = arith.muli %select_n3A_30, %mul3A_31 : i32
    "tpu.region"() ({
      %run_scoped3A = tpu.sem_alloc : memref<!tpu.dma_semaphore, #tpu.memory_space<semaphore_mem>>
      %dma_start3A = arith.constant 0 : i32
      %dma_start3A_45 = tpu.memref_slice %arg3[%select_n3A, %dma_start3A] : memref<16x1024xi32, #tpu.memory_space<hbm>> -> memref<1x1024xi32, #tpu.memory_space<hbm>>
      %dma_start3A_46 = tpu.memref_squeeze %dma_start3A_45 : memref<1x1024xi32, #tpu.memory_space<hbm>> -> memref<1024xi32, #tpu.memory_space<hbm>>
      %dma_start3A_47 = arith.constant 0 : i32
      %dma_start3A_48 = tpu.memref_slice %arg3[%select_n3A, %dma_start3A_47] : memref<16x1024xi32, #tpu.memory_space<hbm>> -> memref<1x1024xi32, #tpu.memory_space<hbm>>
      %dma_start3A_49 = tpu.memref_squeeze %dma_start3A_48 : memref<1x1024xi32, #tpu.memory_space<hbm>> -> memref<1024xi32, #tpu.memory_space<hbm>>
      tpu.enqueue_dma source(%dma_start3A_49 : memref<1024xi32, #tpu.memory_space<hbm>>) target(%arg6 : memref<1024xi32, #tpu.memory_space<vmem>>) target_semaphore(%run_scoped3A : memref<!tpu.dma_semaphore, #tpu.memory_space<semaphore_mem>>)
      %dma_wait3A = arith.constant 0 : i32
      %dma_wait3A_50 = tpu.memref_slice %arg3[%select_n3A, %dma_wait3A] : memref<16x1024xi32, #tpu.memory_space<hbm>> -> memref<1x1024xi32, #tpu.memory_space<hbm>>
      %dma_wait3A_51 = tpu.memref_squeeze %dma_wait3A_50 : memref<1x1024xi32, #tpu.memory_space<hbm>> -> memref<1024xi32, #tpu.memory_space<hbm>>
      %dma_wait3A_52 = arith.constant 0 : i32
      %dma_wait3A_53 = tpu.memref_slice %arg3[%select_n3A, %dma_wait3A_52] : memref<16x1024xi32, #tpu.memory_space<hbm>> -> memref<1x1024xi32, #tpu.memory_space<hbm>>
      %dma_wait3A_54 = tpu.memref_squeeze %dma_wait3A_53 : memref<1x1024xi32, #tpu.memory_space<hbm>> -> memref<1024xi32, #tpu.memory_space<hbm>>
      tpu.wait_dma2 semaphore(%run_scoped3A : memref<!tpu.dma_semaphore, #tpu.memory_space<semaphore_mem>>) src(%dma_wait3A_54 : memref<1024xi32, #tpu.memory_space<hbm>>) dst(%arg6 : memref<1024xi32, #tpu.memory_space<vmem>>)
      tpu.yield
    }) : () -> ()
    %mul3A_33 = arith.constant 1024 : i32
    %mul3A_34 = arith.muli %mul3A_32, %mul3A_33 : i32
    "tpu.region"() ({
      %run_scoped3A = tpu.sem_alloc : memref<!tpu.dma_semaphore, #tpu.memory_space<semaphore_mem>>
      %dma_start3A = tpu.memref_slice %arg2[%mul3A_34] : memref<65536xf32, #tpu.memory_space<hbm>> -> memref<32768xf32, #tpu.memory_space<hbm>>
      %dma_start3A_45 = tpu.memref_slice %arg2[%mul3A_34] : memref<65536xf32, #tpu.memory_space<hbm>> -> memref<32768xf32, #tpu.memory_space<hbm>>
      tpu.enqueue_dma source(%dma_start3A_45 : memref<32768xf32, #tpu.memory_space<hbm>>) target(%arg7 : memref<32768xf32, #tpu.memory_space<vmem>>) target_semaphore(%run_scoped3A : memref<!tpu.dma_semaphore, #tpu.memory_space<semaphore_mem>>)
      %dma_wait3A = tpu.memref_slice %arg2[%mul3A_34] : memref<65536xf32, #tpu.memory_space<hbm>> -> memref<32768xf32, #tpu.memory_space<hbm>>
      %dma_wait3A_46 = tpu.memref_slice %arg2[%mul3A_34] : memref<65536xf32, #tpu.memory_space<hbm>> -> memref<32768xf32, #tpu.memory_space<hbm>>
      tpu.wait_dma2 semaphore(%run_scoped3A : memref<!tpu.dma_semaphore, #tpu.memory_space<semaphore_mem>>) src(%dma_wait3A_46 : memref<32768xf32, #tpu.memory_space<hbm>>) dst(%arg7 : memref<32768xf32, #tpu.memory_space<vmem>>)
      tpu.yield
    }) : () -> ()
    %scan3A = arith.constant 0 : i32
    %scan3A_35 = arith.constant 0 : i32
    %scan3A_36 = arith.constant 64 : i32
    %scan3A_37 = arith.addi %scan3A_35, %scan3A_36 : i32
    %scan3A_38 = arith.constant 1 : i32
    scf.for %scan3A_45 = %scan3A_35 to %scan3A_37 step %scan3A_38  : i32 {
      %mul3A_46 = arith.constant 16 : i32
      %mul3A_47 = arith.muli %scan3A_45, %mul3A_46 : i32
      %get3A = arith.index_cast %mul3A_47 : i32 to index
      %get3A_48 = tpu.vector_load %arg6[%get3A] {strides = array<i32>} : memref<1024xi32, #tpu.memory_space<vmem>>, vector<16xi32>,
      %add3A_49 = arith.constant 0 : i32
      %add3A_50 = vector.broadcast %add3A_49 : i32 to vector<16xi32>
      %add3A_51 = arith.addi %get3A_48, %add3A_50 : vector<16xi32>
      %gather3A = tpu.vector_load_idx %arg7[%add3A_51] : memref<32768xf32, #tpu.memory_space<vmem>>[vector<16xi32>], vector<16xf32>,
      %mul3A_52 = arith.constant 16 : i32
      %mul3A_53 = arith.muli %scan3A_45, %mul3A_52 : i32
      %add3A_54 = arith.constant 0 : i32
      %add3A_55 = arith.addi %add3A_54, %mul3A_53 : i32
      %swap3A = arith.index_cast %add3A_55 : i32 to index
      %swap3A_56 = tpu.vector_load %arg8[%swap3A] {strides = array<i32>} : memref<32768xf32, #tpu.memory_space<vmem>>, vector<16xf32>,
      tpu.vector_store %arg8[%swap3A], %gather3A {strides = array<i32>} : memref<32768xf32, #tpu.memory_space<vmem>>, vector<16xf32>,
      %add3A_57 = arith.constant 1024 : i32
      %add3A_58 = vector.broadcast %add3A_57 : i32 to vector<16xi32>
      %add3A_59 = arith.addi %get3A_48, %add3A_58 : vector<16xi32>
      %gather3A_60 = tpu.vector_load_idx %arg7[%add3A_59] : memref<32768xf32, #tpu.memory_space<vmem>>[vector<16xi32>], vector<16xf32>,
      %mul3A_61 = arith.constant 16 : i32
      %mul3A_62 = arith.muli %scan3A_45, %mul3A_61 : i32
      %add3A_63 = arith.constant 1024 : i32
      %add3A_64 = arith.addi %add3A_63, %mul3A_62 : i32
      %swap3A_65 = arith.index_cast %add3A_64 : i32 to index
      %swap3A_66 = tpu.vector_load %arg8[%swap3A_65] {strides = array<i32>} : memref<32768xf32, #tpu.memory_space<vmem>>, vector<16xf32>,
      tpu.vector_store %arg8[%swap3A_65], %gather3A_60 {strides = array<i32>} : memref<32768xf32, #tpu.memory_space<vmem>>, vector<16xf32>,
      %add3A_67 = arith.constant 2048 : i32
      %add3A_68 = vector.broadcast %add3A_67 : i32 to vector<16xi32>
      %add3A_69 = arith.addi %get3A_48, %add3A_68 : vector<16xi32>
      %gather3A_70 = tpu.vector_load_idx %arg7[%add3A_69] : memref<32768xf32, #tpu.memory_space<vmem>>[vector<16xi32>], vector<16xf32>,
      %mul3A_71 = arith.constant 16 : i32
      %mul3A_72 = arith.muli %scan3A_45, %mul3A_71 : i32
      %add3A_73 = arith.constant 2048 : i32
      %add3A_74 = arith.addi %add3A_73, %mul3A_72 : i32
      %swap3A_75 = arith.index_cast %add3A_74 : i32 to index
      %swap3A_76 = tpu.vector_load %arg8[%swap3A_75] {strides = array<i32>} : memref<32768xf32, #tpu.memory_space<vmem>>, vector<16xf32>,
      tpu.vector_store %arg8[%swap3A_75], %gather3A_70 {strides = array<i32>} : memref<32768xf32, #tpu.memory_space<vmem>>, vector<16xf32>,
      %add3A_77 = arith.constant 3072 : i32
      %add3A_78 = vector.broadcast %add3A_77 : i32 to vector<16xi32>
      %add3A_79 = arith.addi %get3A_48, %add3A_78 : vector<16xi32>
      %gather3A_80 = tpu.vector_load_idx %arg7[%add3A_79] : memref<32768xf32, #tpu.memory_space<vmem>>[vector<16xi32>], vector<16xf32>,
      %mul3A_81 = arith.constant 16 : i32
      %mul3A_82 = arith.muli %scan3A_45, %mul3A_81 : i32
      %add3A_83 = arith.constant 3072 : i32
      %add3A_84 = arith.addi %add3A_83, %mul3A_82 : i32
      %swap3A_85 = arith.index_cast %add3A_84 : i32 to index
      %swap3A_86 = tpu.vector_load %arg8[%swap3A_85] {strides = array<i32>} : memref<32768xf32, #tpu.memory_space<vmem>>, vector<16xf32>,
      tpu.vector_store %arg8[%swap3A_85], %gather3A_80 {strides = array<i32>} : memref<32768xf32, #tpu.memory_space<vmem>>, vector<16xf32>,
      %add3A_87 = arith.constant 4096 : i32
      %add3A_88 = vector.broadcast %add3A_87 : i32 to vector<16xi32>
      %add3A_89 = arith.addi %get3A_48, %add3A_88 : vector<16xi32>
      %gather3A_90 = tpu.vector_load_idx %arg7[%add3A_89] : memref<32768xf32, #tpu.memory_space<vmem>>[vector<16xi32>], vector<16xf32>,
      %mul3A_91 = arith.constant 16 : i32
      %mul3A_92 = arith.muli %scan3A_45, %mul3A_91 : i32
      %add3A_93 = arith.constant 4096 : i32
      %add3A_94 = arith.addi %add3A_93, %mul3A_92 : i32
      %swap3A_95 = arith.index_cast %add3A_94 : i32 to index
      %swap3A_96 = tpu.vector_load %arg8[%swap3A_95] {strides = array<i32>} : memref<32768xf32, #tpu.memory_space<vmem>>, vector<16xf32>,
      tpu.vector_store %arg8[%swap3A_95], %gather3A_90 {strides = array<i32>} : memref<32768xf32, #tpu.memory_space<vmem>>, vector<16xf32>,
      %add3A_97 = arith.constant 5120 : i32
      %add3A_98 = vector.broadcast %add3A_97 : i32 to vector<16xi32>
      %add3A_99 = arith.addi %get3A_48, %add3A_98 : vector<16xi32>
      %gather3A_100 = tpu.vector_load_idx %arg7[%add3A_99] : memref<32768xf32, #tpu.memory_space<vmem>>[vector<16xi32>], vector<16xf32>,
      %mul3A_101 = arith.constant 16 : i32
      %mul3A_102 = arith.muli %scan3A_45, %mul3A_101 : i32
      %add3A_103 = arith.constant 5120 : i32
      %add3A_104 = arith.addi %add3A_103, %mul3A_102 : i32
      %swap3A_105 = arith.index_cast %add3A_104 : i32 to index
      %swap3A_106 = tpu.vector_load %arg8[%swap3A_105] {strides = array<i32>} : memref<32768xf32, #tpu.memory_space<vmem>>, vector<16xf32>,
      tpu.vector_store %arg8[%swap3A_105], %gather3A_100 {strides = array<i32>} : memref<32768xf32, #tpu.memory_space<vmem>>, vector<16xf32>,
      %add3A_107 = arith.constant 6144 : i32
      %add3A_108 = vector.broadcast %add3A_107 : i32 to vector<16xi32>
      %add3A_109 = arith.addi %get3A_48, %add3A_108 : vector<16xi32>
      %gather3A_110 = tpu.vector_load_idx %arg7[%add3A_109] : memref<32768xf32, #tpu.memory_space<vmem>>[vector<16xi32>], vector<16xf32>,
      %mul3A_111 = arith.constant 16 : i32
      %mul3A_112 = arith.muli %scan3A_45, %mul3A_111 : i32
      %add3A_113 = arith.constant 6144 : i32
      %add3A_114 = arith.addi %add3A_113, %mul3A_112 : i32
      %swap3A_115 = arith.index_cast %add3A_114 : i32 to index
      %swap3A_116 = tpu.vector_load %arg8[%swap3A_115] {strides = array<i32>} : memref<32768xf32, #tpu.memory_space<vmem>>, vector<16xf32>,
      tpu.vector_store %arg8[%swap3A_115], %gather3A_110 {strides = array<i32>} : memref<32768xf32, #tpu.memory_space<vmem>>, vector<16xf32>,
      %add3A_117 = arith.constant 7168 : i32
      %add3A_118 = vector.broadcast %add3A_117 : i32 to vector<16xi32>
      %add3A_119 = arith.addi %get3A_48, %add3A_118 : vector<16xi32>
      %gather3A_120 = tpu.vector_load_idx %arg7[%add3A_119] : memref<32768xf32, #tpu.memory_space<vmem>>[vector<16xi32>], vector<16xf32>,
      %mul3A_121 = arith.constant 16 : i32
      %mul3A_122 = arith.muli %scan3A_45, %mul3A_121 : i32
      %add3A_123 = arith.constant 7168 : i32
      %add3A_124 = arith.addi %add3A_123, %mul3A_122 : i32
      %swap3A_125 = arith.index_cast %add3A_124 : i32 to index
      %swap3A_126 = tpu.vector_load %arg8[%swap3A_125] {strides = array<i32>} : memref<32768xf32, #tpu.memory_space<vmem>>, vector<16xf32>,
      tpu.vector_store %arg8[%swap3A_125], %gather3A_120 {strides = array<i32>} : memref<32768xf32, #tpu.memory_space<vmem>>, vector<16xf32>,
      %add3A_127 = arith.constant 8192 : i32
      %add3A_128 = vector.broadcast %add3A_127 : i32 to vector<16xi32>
      %add3A_129 = arith.addi %get3A_48, %add3A_128 : vector<16xi32>
      %gather3A_130 = tpu.vector_load_idx %arg7[%add3A_129] : memref<32768xf32, #tpu.memory_space<vmem>>[vector<16xi32>], vector<16xf32>,
      %mul3A_131 = arith.constant 16 : i32
      %mul3A_132 = arith.muli %scan3A_45, %mul3A_131 : i32
      %add3A_133 = arith.constant 8192 : i32
      %add3A_134 = arith.addi %add3A_133, %mul3A_132 : i32
      %swap3A_135 = arith.index_cast %add3A_134 : i32 to index
      %swap3A_136 = tpu.vector_load %arg8[%swap3A_135] {strides = array<i32>} : memref<32768xf32, #tpu.memory_space<vmem>>, vector<16xf32>,
      tpu.vector_store %arg8[%swap3A_135], %gather3A_130 {strides = array<i32>} : memref<32768xf32, #tpu.memory_space<vmem>>, vector<16xf32>,
      %add3A_137 = arith.constant 9216 : i32
      %add3A_138 = vector.broadcast %add3A_137 : i32 to vector<16xi32>
      %add3A_139 = arith.addi %get3A_48, %add3A_138 : vector<16xi32>
      %gather3A_140 = tpu.vector_load_idx %arg7[%add3A_139] : memref<32768xf32, #tpu.memory_space<vmem>>[vector<16xi32>], vector<16xf32>,
      %mul3A_141 = arith.constant 16 : i32
      %mul3A_142 = arith.muli %scan3A_45, %mul3A_141 : i32
      %add3A_143 = arith.constant 9216 : i32
      %add3A_144 = arith.addi %add3A_143, %mul3A_142 : i32
      %swap3A_145 = arith.index_cast %add3A_144 : i32 to index
      %swap3A_146 = tpu.vector_load %arg8[%swap3A_145] {strides = array<i32>} : memref<32768xf32, #tpu.memory_space<vmem>>, vector<16xf32>,
      tpu.vector_store %arg8[%swap3A_145], %gather3A_140 {strides = array<i32>} : memref<32768xf32, #tpu.memory_space<vmem>>, vector<16xf32>,
      %add3A_147 = arith.constant 10240 : i32
      %add3A_148 = vector.broadcast %add3A_147 : i32 to vector<16xi32>
      %add3A_149 = arith.addi %get3A_48, %add3A_148 : vector<16xi32>
      %gather3A_150 = tpu.vector_load_idx %arg7[%add3A_149] : memref<32768xf32, #tpu.memory_space<vmem>>[vector<16xi32>], vector<16xf32>,
      %mul3A_151 = arith.constant 16 : i32
      %mul3A_152 = arith.muli %scan3A_45, %mul3A_151 : i32
      %add3A_153 = arith.constant 10240 : i32
      %add3A_154 = arith.addi %add3A_153, %mul3A_152 : i32
      %swap3A_155 = arith.index_cast %add3A_154 : i32 to index
      %swap3A_156 = tpu.vector_load %arg8[%swap3A_155] {strides = array<i32>} : memref<32768xf32, #tpu.memory_space<vmem>>, vector<16xf32>,
      tpu.vector_store %arg8[%swap3A_155], %gather3A_150 {strides = array<i32>} : memref<32768xf32, #tpu.memory_space<vmem>>, vector<16xf32>,
      %add3A_157 = arith.constant 11264 : i32
      %add3A_158 = vector.broadcast %add3A_157 : i32 to vector<16xi32>
      %add3A_159 = arith.addi %get3A_48, %add3A_158 : vector<16xi32>
      %gather3A_160 = tpu.vector_load_idx %arg7[%add3A_159] : memref<32768xf32, #tpu.memory_space<vmem>>[vector<16xi32>], vector<16xf32>,
      %mul3A_161 = arith.constant 16 : i32
      %mul3A_162 = arith.muli %scan3A_45, %mul3A_161 : i32
      %add3A_163 = arith.constant 11264 : i32
      %add3A_164 = arith.addi %add3A_163, %mul3A_162 : i32
      %swap3A_165 = arith.index_cast %add3A_164 : i32 to index
      %swap3A_166 = tpu.vector_load %arg8[%swap3A_165] {strides = array<i32>} : memref<32768xf32, #tpu.memory_space<vmem>>, vector<16xf32>,
      tpu.vector_store %arg8[%swap3A_165], %gather3A_160 {strides = array<i32>} : memref<32768xf32, #tpu.memory_space<vmem>>, vector<16xf32>,
      %add3A_167 = arith.constant 12288 : i32
      %add3A_168 = vector.broadcast %add3A_167 : i32 to vector<16xi32>
      %add3A_169 = arith.addi %get3A_48, %add3A_168 : vector<16xi32>
      %gather3A_170 = tpu.vector_load_idx %arg7[%add3A_169] : memref<32768xf32, #tpu.memory_space<vmem>>[vector<16xi32>], vector<16xf32>,
      %mul3A_171 = arith.constant 16 : i32
      %mul3A_172 = arith.muli %scan3A_45, %mul3A_171 : i32
      %add3A_173 = arith.constant 12288 : i32
      %add3A_174 = arith.addi %add3A_173, %mul3A_172 : i32
      %swap3A_175 = arith.index_cast %add3A_174 : i32 to index
      %swap3A_176 = tpu.vector_load %arg8[%swap3A_175] {strides = array<i32>} : memref<32768xf32, #tpu.memory_space<vmem>>, vector<16xf32>,
      tpu.vector_store %arg8[%swap3A_175], %gather3A_170 {strides = array<i32>} : memref<32768xf32, #tpu.memory_space<vmem>>, vector<16xf32>,
      %add3A_177 = arith.constant 13312 : i32
      %add3A_178 = vector.broadcast %add3A_177 : i32 to vector<16xi32>
      %add3A_179 = arith.addi %get3A_48, %add3A_178 : vector<16xi32>
      %gather3A_180 = tpu.vector_load_idx %arg7[%add3A_179] : memref<32768xf32, #tpu.memory_space<vmem>>[vector<16xi32>], vector<16xf32>,
      %mul3A_181 = arith.constant 16 : i32
      %mul3A_182 = arith.muli %scan3A_45, %mul3A_181 : i32
      %add3A_183 = arith.constant 13312 : i32
      %add3A_184 = arith.addi %add3A_183, %mul3A_182 : i32
      %swap3A_185 = arith.index_cast %add3A_184 : i32 to index
      %swap3A_186 = tpu.vector_load %arg8[%swap3A_185] {strides = array<i32>} : memref<32768xf32, #tpu.memory_space<vmem>>, vector<16xf32>,
      tpu.vector_store %arg8[%swap3A_185], %gather3A_180 {strides = array<i32>} : memref<32768xf32, #tpu.memory_space<vmem>>, vector<16xf32>,
      %add3A_187 = arith.constant 14336 : i32
      %add3A_188 = vector.broadcast %add3A_187 : i32 to vector<16xi32>
      %add3A_189 = arith.addi %get3A_48, %add3A_188 : vector<16xi32>
      %gather3A_190 = tpu.vector_load_idx %arg7[%add3A_189] : memref<32768xf32, #tpu.memory_space<vmem>>[vector<16xi32>], vector<16xf32>,
      %mul3A_191 = arith.constant 16 : i32
      %mul3A_192 = arith.muli %scan3A_45, %mul3A_191 : i32
      %add3A_193 = arith.constant 14336 : i32
      %add3A_194 = arith.addi %add3A_193, %mul3A_192 : i32
      %swap3A_195 = arith.index_cast %add3A_194 : i32 to index
      %swap3A_196 = tpu.vector_load %arg8[%swap3A_195] {strides = array<i32>} : memref<32768xf32, #tpu.memory_space<vmem>>, vector<16xf32>,
      tpu.vector_store %arg8[%swap3A_195], %gather3A_190 {strides = array<i32>} : memref<32768xf32, #tpu.memory_space<vmem>>, vector<16xf32>,
      %add3A_197 = arith.constant 15360 : i32
      %add3A_198 = vector.broadcast %add3A_197 : i32 to vector<16xi32>
      %add3A_199 = arith.addi %get3A_48, %add3A_198 : vector<16xi32>
      %gather3A_200 = tpu.vector_load_idx %arg7[%add3A_199] : memref<32768xf32, #tpu.memory_space<vmem>>[vector<16xi32>], vector<16xf32>,
      %mul3A_201 = arith.constant 16 : i32
      %mul3A_202 = arith.muli %scan3A_45, %mul3A_201 : i32
      %add3A_203 = arith.constant 15360 : i32
      %add3A_204 = arith.addi %add3A_203, %mul3A_202 : i32
      %swap3A_205 = arith.index_cast %add3A_204 : i32 to index
      %swap3A_206 = tpu.vector_load %arg8[%swap3A_205] {strides = array<i32>} : memref<32768xf32, #tpu.memory_space<vmem>>, vector<16xf32>,
      tpu.vector_store %arg8[%swap3A_205], %gather3A_200 {strides = array<i32>} : memref<32768xf32, #tpu.memory_space<vmem>>, vector<16xf32>,
      %add3A_207 = arith.constant 16384 : i32
      %add3A_208 = vector.broadcast %add3A_207 : i32 to vector<16xi32>
      %add3A_209 = arith.addi %get3A_48, %add3A_208 : vector<16xi32>
      %gather3A_210 = tpu.vector_load_idx %arg7[%add3A_209] : memref<32768xf32, #tpu.memory_space<vmem>>[vector<16xi32>], vector<16xf32>,
      %mul3A_211 = arith.constant 16 : i32
      %mul3A_212 = arith.muli %scan3A_45, %mul3A_211 : i32
      %add3A_213 = arith.constant 16384 : i32
      %add3A_214 = arith.addi %add3A_213, %mul3A_212 : i32
      %swap3A_215 = arith.index_cast %add3A_214 : i32 to index
      %swap3A_216 = tpu.vector_load %arg8[%swap3A_215] {strides = array<i32>} : memref<32768xf32, #tpu.memory_space<vmem>>, vector<16xf32>,
      tpu.vector_store %arg8[%swap3A_215], %gather3A_210 {strides = array<i32>} : memref<32768xf32, #tpu.memory_space<vmem>>, vector<16xf32>,
      %add3A_217 = arith.constant 17408 : i32
      %add3A_218 = vector.broadcast %add3A_217 : i32 to vector<16xi32>
      %add3A_219 = arith.addi %get3A_48, %add3A_218 : vector<16xi32>
      %gather3A_220 = tpu.vector_load_idx %arg7[%add3A_219] : memref<32768xf32, #tpu.memory_space<vmem>>[vector<16xi32>], vector<16xf32>,
      %mul3A_221 = arith.constant 16 : i32
      %mul3A_222 = arith.muli %scan3A_45, %mul3A_221 : i32
      %add3A_223 = arith.constant 17408 : i32
      %add3A_224 = arith.addi %add3A_223, %mul3A_222 : i32
      %swap3A_225 = arith.index_cast %add3A_224 : i32 to index
      %swap3A_226 = tpu.vector_load %arg8[%swap3A_225] {strides = array<i32>} : memref<32768xf32, #tpu.memory_space<vmem>>, vector<16xf32>,
      tpu.vector_store %arg8[%swap3A_225], %gather3A_220 {strides = array<i32>} : memref<32768xf32, #tpu.memory_space<vmem>>, vector<16xf32>,
      %add3A_227 = arith.constant 18432 : i32
      %add3A_228 = vector.broadcast %add3A_227 : i32 to vector<16xi32>
      %add3A_229 = arith.addi %get3A_48, %add3A_228 : vector<16xi32>
      %gather3A_230 = tpu.vector_load_idx %arg7[%add3A_229] : memref<32768xf32, #tpu.memory_space<vmem>>[vector<16xi32>], vector<16xf32>,
      %mul3A_231 = arith.constant 16 : i32
      %mul3A_232 = arith.muli %scan3A_45, %mul3A_231 : i32
      %add3A_233 = arith.constant 18432 : i32
      %add3A_234 = arith.addi %add3A_233, %mul3A_232 : i32
      %swap3A_235 = arith.index_cast %add3A_234 : i32 to index
      %swap3A_236 = tpu.vector_load %arg8[%swap3A_235] {strides = array<i32>} : memref<32768xf32, #tpu.memory_space<vmem>>, vector<16xf32>,
      tpu.vector_store %arg8[%swap3A_235], %gather3A_230 {strides = array<i32>} : memref<32768xf32, #tpu.memory_space<vmem>>, vector<16xf32>,
      %add3A_237 = arith.constant 19456 : i32
      %add3A_238 = vector.broadcast %add3A_237 : i32 to vector<16xi32>
      %add3A_239 = arith.addi %get3A_48, %add3A_238 : vector<16xi32>
      %gather3A_240 = tpu.vector_load_idx %arg7[%add3A_239] : memref<32768xf32, #tpu.memory_space<vmem>>[vector<16xi32>], vector<16xf32>,
      %mul3A_241 = arith.constant 16 : i32
      %mul3A_242 = arith.muli %scan3A_45, %mul3A_241 : i32
      %add3A_243 = arith.constant 19456 : i32
      %add3A_244 = arith.addi %add3A_243, %mul3A_242 : i32
      %swap3A_245 = arith.index_cast %add3A_244 : i32 to index
      %swap3A_246 = tpu.vector_load %arg8[%swap3A_245] {strides = array<i32>} : memref<32768xf32, #tpu.memory_space<vmem>>, vector<16xf32>,
      tpu.vector_store %arg8[%swap3A_245], %gather3A_240 {strides = array<i32>} : memref<32768xf32, #tpu.memory_space<vmem>>, vector<16xf32>,
      %add3A_247 = arith.constant 20480 : i32
      %add3A_248 = vector.broadcast %add3A_247 : i32 to vector<16xi32>
      %add3A_249 = arith.addi %get3A_48, %add3A_248 : vector<16xi32>
      %gather3A_250 = tpu.vector_load_idx %arg7[%add3A_249] : memref<32768xf32, #tpu.memory_space<vmem>>[vector<16xi32>], vector<16xf32>,
      %mul3A_251 = arith.constant 16 : i32
      %mul3A_252 = arith.muli %scan3A_45, %mul3A_251 : i32
      %add3A_253 = arith.constant 20480 : i32
      %add3A_254 = arith.addi %add3A_253, %mul3A_252 : i32
      %swap3A_255 = arith.index_cast %add3A_254 : i32 to index
      %swap3A_256 = tpu.vector_load %arg8[%swap3A_255] {strides = array<i32>} : memref<32768xf32, #tpu.memory_space<vmem>>, vector<16xf32>,
      tpu.vector_store %arg8[%swap3A_255], %gather3A_250 {strides = array<i32>} : memref<32768xf32, #tpu.memory_space<vmem>>, vector<16xf32>,
      %add3A_257 = arith.constant 21504 : i32
      %add3A_258 = vector.broadcast %add3A_257 : i32 to vector<16xi32>
      %add3A_259 = arith.addi %get3A_48, %add3A_258 : vector<16xi32>
      %gather3A_260 = tpu.vector_load_idx %arg7[%add3A_259] : memref<32768xf32, #tpu.memory_space<vmem>>[vector<16xi32>], vector<16xf32>,
      %mul3A_261 = arith.constant 16 : i32
      %mul3A_262 = arith.muli %scan3A_45, %mul3A_261 : i32
      %add3A_263 = arith.constant 21504 : i32
      %add3A_264 = arith.addi %add3A_263, %mul3A_262 : i32
      %swap3A_265 = arith.index_cast %add3A_264 : i32 to index
      %swap3A_266 = tpu.vector_load %arg8[%swap3A_265] {strides = array<i32>} : memref<32768xf32, #tpu.memory_space<vmem>>, vector<16xf32>,
      tpu.vector_store %arg8[%swap3A_265], %gather3A_260 {strides = array<i32>} : memref<32768xf32, #tpu.memory_space<vmem>>, vector<16xf32>,
      %add3A_267 = arith.constant 22528 : i32
      %add3A_268 = vector.broadcast %add3A_267 : i32 to vector<16xi32>
      %add3A_269 = arith.addi %get3A_48, %add3A_268 : vector<16xi32>
      %gather3A_270 = tpu.vector_load_idx %arg7[%add3A_269] : memref<32768xf32, #tpu.memory_space<vmem>>[vector<16xi32>], vector<16xf32>,
      %mul3A_271 = arith.constant 16 : i32
      %mul3A_272 = arith.muli %scan3A_45, %mul3A_271 : i32
      %add3A_273 = arith.constant 22528 : i32
      %add3A_274 = arith.addi %add3A_273, %mul3A_272 : i32
      %swap3A_275 = arith.index_cast %add3A_274 : i32 to index
      %swap3A_276 = tpu.vector_load %arg8[%swap3A_275] {strides = array<i32>} : memref<32768xf32, #tpu.memory_space<vmem>>, vector<16xf32>,
      tpu.vector_store %arg8[%swap3A_275], %gather3A_270 {strides = array<i32>} : memref<32768xf32, #tpu.memory_space<vmem>>, vector<16xf32>,
      %add3A_277 = arith.constant 23552 : i32
      %add3A_278 = vector.broadcast %add3A_277 : i32 to vector<16xi32>
      %add3A_279 = arith.addi %get3A_48, %add3A_278 : vector<16xi32>
      %gather3A_280 = tpu.vector_load_idx %arg7[%add3A_279] : memref<32768xf32, #tpu.memory_space<vmem>>[vector<16xi32>], vector<16xf32>,
      %mul3A_281 = arith.constant 16 : i32
      %mul3A_282 = arith.muli %scan3A_45, %mul3A_281 : i32
      %add3A_283 = arith.constant 23552 : i32
      %add3A_284 = arith.addi %add3A_283, %mul3A_282 : i32
      %swap3A_285 = arith.index_cast %add3A_284 : i32 to index
      %swap3A_286 = tpu.vector_load %arg8[%swap3A_285] {strides = array<i32>} : memref<32768xf32, #tpu.memory_space<vmem>>, vector<16xf32>,
      tpu.vector_store %arg8[%swap3A_285], %gather3A_280 {strides = array<i32>} : memref<32768xf32, #tpu.memory_space<vmem>>, vector<16xf32>,
      %add3A_287 = arith.constant 24576 : i32
      %add3A_288 = vector.broadcast %add3A_287 : i32 to vector<16xi32>
      %add3A_289 = arith.addi %get3A_48, %add3A_288 : vector<16xi32>
      %gather3A_290 = tpu.vector_load_idx %arg7[%add3A_289] : memref<32768xf32, #tpu.memory_space<vmem>>[vector<16xi32>], vector<16xf32>,
      %mul3A_291 = arith.constant 16 : i32
      %mul3A_292 = arith.muli %scan3A_45, %mul3A_291 : i32
      %add3A_293 = arith.constant 24576 : i32
      %add3A_294 = arith.addi %add3A_293, %mul3A_292 : i32
      %swap3A_295 = arith.index_cast %add3A_294 : i32 to index
      %swap3A_296 = tpu.vector_load %arg8[%swap3A_295] {strides = array<i32>} : memref<32768xf32, #tpu.memory_space<vmem>>, vector<16xf32>,
      tpu.vector_store %arg8[%swap3A_295], %gather3A_290 {strides = array<i32>} : memref<32768xf32, #tpu.memory_space<vmem>>, vector<16xf32>,
      %add3A_297 = arith.constant 25600 : i32
      %add3A_298 = vector.broadcast %add3A_297 : i32 to vector<16xi32>
      %add3A_299 = arith.addi %get3A_48, %add3A_298 : vector<16xi32>
      %gather3A_300 = tpu.vector_load_idx %arg7[%add3A_299] : memref<32768xf32, #tpu.memory_space<vmem>>[vector<16xi32>], vector<16xf32>,
      %mul3A_301 = arith.constant 16 : i32
      %mul3A_302 = arith.muli %scan3A_45, %mul3A_301 : i32
      %add3A_303 = arith.constant 25600 : i32
      %add3A_304 = arith.addi %add3A_303, %mul3A_302 : i32
      %swap3A_305 = arith.index_cast %add3A_304 : i32 to index
      %swap3A_306 = tpu.vector_load %arg8[%swap3A_305] {strides = array<i32>} : memref<32768xf32, #tpu.memory_space<vmem>>, vector<16xf32>,
      tpu.vector_store %arg8[%swap3A_305], %gather3A_300 {strides = array<i32>} : memref<32768xf32, #tpu.memory_space<vmem>>, vector<16xf32>,
      %add3A_307 = arith.constant 26624 : i32
      %add3A_308 = vector.broadcast %add3A_307 : i32 to vector<16xi32>
      %add3A_309 = arith.addi %get3A_48, %add3A_308 : vector<16xi32>
      %gather3A_310 = tpu.vector_load_idx %arg7[%add3A_309] : memref<32768xf32, #tpu.memory_space<vmem>>[vector<16xi32>], vector<16xf32>,
      %mul3A_311 = arith.constant 16 : i32
      %mul3A_312 = arith.muli %scan3A_45, %mul3A_311 : i32
      %add3A_313 = arith.constant 26624 : i32
      %add3A_314 = arith.addi %add3A_313, %mul3A_312 : i32
      %swap3A_315 = arith.index_cast %add3A_314 : i32 to index
      %swap3A_316 = tpu.vector_load %arg8[%swap3A_315] {strides = array<i32>} : memref<32768xf32, #tpu.memory_space<vmem>>, vector<16xf32>,
      tpu.vector_store %arg8[%swap3A_315], %gather3A_310 {strides = array<i32>} : memref<32768xf32, #tpu.memory_space<vmem>>, vector<16xf32>,
      %add3A_317 = arith.constant 27648 : i32
      %add3A_318 = vector.broadcast %add3A_317 : i32 to vector<16xi32>
      %add3A_319 = arith.addi %get3A_48, %add3A_318 : vector<16xi32>
      %gather3A_320 = tpu.vector_load_idx %arg7[%add3A_319] : memref<32768xf32, #tpu.memory_space<vmem>>[vector<16xi32>], vector<16xf32>,
      %mul3A_321 = arith.constant 16 : i32
      %mul3A_322 = arith.muli %scan3A_45, %mul3A_321 : i32
      %add3A_323 = arith.constant 27648 : i32
      %add3A_324 = arith.addi %add3A_323, %mul3A_322 : i32
      %swap3A_325 = arith.index_cast %add3A_324 : i32 to index
      %swap3A_326 = tpu.vector_load %arg8[%swap3A_325] {strides = array<i32>} : memref<32768xf32, #tpu.memory_space<vmem>>, vector<16xf32>,
      tpu.vector_store %arg8[%swap3A_325], %gather3A_320 {strides = array<i32>} : memref<32768xf32, #tpu.memory_space<vmem>>, vector<16xf32>,
      %add3A_327 = arith.constant 28672 : i32
      %add3A_328 = vector.broadcast %add3A_327 : i32 to vector<16xi32>
      %add3A_329 = arith.addi %get3A_48, %add3A_328 : vector<16xi32>
      %gather3A_330 = tpu.vector_load_idx %arg7[%add3A_329] : memref<32768xf32, #tpu.memory_space<vmem>>[vector<16xi32>], vector<16xf32>,
      %mul3A_331 = arith.constant 16 : i32
      %mul3A_332 = arith.muli %scan3A_45, %mul3A_331 : i32
      %add3A_333 = arith.constant 28672 : i32
      %add3A_334 = arith.addi %add3A_333, %mul3A_332 : i32
      %swap3A_335 = arith.index_cast %add3A_334 : i32 to index
      %swap3A_336 = tpu.vector_load %arg8[%swap3A_335] {strides = array<i32>} : memref<32768xf32, #tpu.memory_space<vmem>>, vector<16xf32>,
      tpu.vector_store %arg8[%swap3A_335], %gather3A_330 {strides = array<i32>} : memref<32768xf32, #tpu.memory_space<vmem>>, vector<16xf32>,
      %add3A_337 = arith.constant 29696 : i32
      %add3A_338 = vector.broadcast %add3A_337 : i32 to vector<16xi32>
      %add3A_339 = arith.addi %get3A_48, %add3A_338 : vector<16xi32>
      %gather3A_340 = tpu.vector_load_idx %arg7[%add3A_339] : memref<32768xf32, #tpu.memory_space<vmem>>[vector<16xi32>], vector<16xf32>,
      %mul3A_341 = arith.constant 16 : i32
      %mul3A_342 = arith.muli %scan3A_45, %mul3A_341 : i32
      %add3A_343 = arith.constant 29696 : i32
      %add3A_344 = arith.addi %add3A_343, %mul3A_342 : i32
      %swap3A_345 = arith.index_cast %add3A_344 : i32 to index
      %swap3A_346 = tpu.vector_load %arg8[%swap3A_345] {strides = array<i32>} : memref<32768xf32, #tpu.memory_space<vmem>>, vector<16xf32>,
      tpu.vector_store %arg8[%swap3A_345], %gather3A_340 {strides = array<i32>} : memref<32768xf32, #tpu.memory_space<vmem>>, vector<16xf32>,
      %add3A_347 = arith.constant 30720 : i32
      %add3A_348 = vector.broadcast %add3A_347 : i32 to vector<16xi32>
      %add3A_349 = arith.addi %get3A_48, %add3A_348 : vector<16xi32>
      %gather3A_350 = tpu.vector_load_idx %arg7[%add3A_349] : memref<32768xf32, #tpu.memory_space<vmem>>[vector<16xi32>], vector<16xf32>,
      %mul3A_351 = arith.constant 16 : i32
      %mul3A_352 = arith.muli %scan3A_45, %mul3A_351 : i32
      %add3A_353 = arith.constant 30720 : i32
      %add3A_354 = arith.addi %add3A_353, %mul3A_352 : i32
      %swap3A_355 = arith.index_cast %add3A_354 : i32 to index
      %swap3A_356 = tpu.vector_load %arg8[%swap3A_355] {strides = array<i32>} : memref<32768xf32, #tpu.memory_space<vmem>>, vector<16xf32>,
      tpu.vector_store %arg8[%swap3A_355], %gather3A_350 {strides = array<i32>} : memref<32768xf32, #tpu.memory_space<vmem>>, vector<16xf32>,
      %add3A_357 = arith.constant 31744 : i32
      %add3A_358 = vector.broadcast %add3A_357 : i32 to vector<16xi32>
      %add3A_359 = arith.addi %get3A_48, %add3A_358 : vector<16xi32>
      %gather3A_360 = tpu.vector_load_idx %arg7[%add3A_359] : memref<32768xf32, #tpu.memory_space<vmem>>[vector<16xi32>], vector<16xf32>,
      %mul3A_361 = arith.constant 16 : i32
      %mul3A_362 = arith.muli %scan3A_45, %mul3A_361 : i32
      %add3A_363 = arith.constant 31744 : i32
      %add3A_364 = arith.addi %add3A_363, %mul3A_362 : i32
      %swap3A_365 = arith.index_cast %add3A_364 : i32 to index
      %swap3A_366 = tpu.vector_load %arg8[%swap3A_365] {strides = array<i32>} : memref<32768xf32, #tpu.memory_space<vmem>>, vector<16xf32>,
      tpu.vector_store %arg8[%swap3A_365], %gather3A_360 {strides = array<i32>} : memref<32768xf32, #tpu.memory_space<vmem>>, vector<16xf32>,
    }
    %scan3A_39 = arith.constant 64 : i32
    %mul3A_40 = arith.constant 1024 : i32
    %mul3A_41 = arith.muli %mul3A_32, %mul3A_40 : i32
    "tpu.region"() ({
      %run_scoped3A = tpu.sem_alloc : memref<!tpu.dma_semaphore, #tpu.memory_space<semaphore_mem>>
      %dma_start3A = tpu.memref_slice %arg4[%select_n3A, %mul3A_41] : memref<16x65536xf32, #tpu.memory_space<hbm>> -> memref<1x32768xf32, #tpu.memory_space<hbm>>
      %dma_start3A_45 = tpu.memref_squeeze %dma_start3A : memref<1x32768xf32, #tpu.memory_space<hbm>> -> memref<32768xf32, #tpu.memory_space<hbm>>
      %dma_start3A_46 = tpu.memref_slice %arg4[%select_n3A, %mul3A_41] : memref<16x65536xf32, #tpu.memory_space<hbm>> -> memref<1x32768xf32, #tpu.memory_space<hbm>>
      %dma_start3A_47 = tpu.memref_squeeze %dma_start3A_46 : memref<1x32768xf32, #tpu.memory_space<hbm>> -> memref<32768xf32, #tpu.memory_space<hbm>>
      tpu.enqueue_dma source(%arg8 : memref<32768xf32, #tpu.memory_space<vmem>>) target(%dma_start3A_47 : memref<32768xf32, #tpu.memory_space<hbm>>) target_semaphore(%run_scoped3A : memref<!tpu.dma_semaphore, #tpu.memory_space<semaphore_mem>>)
      %dma_wait3A = tpu.memref_slice %arg4[%select_n3A, %mul3A_41] : memref<16x65536xf32, #tpu.memory_space<hbm>> -> memref<1x32768xf32, #tpu.memory_space<hbm>>
      %dma_wait3A_48 = tpu.memref_squeeze %dma_wait3A : memref<1x32768xf32, #tpu.memory_space<hbm>> -> memref<32768xf32, #tpu.memory_space<hbm>>
      %dma_wait3A_49 = tpu.memref_slice %arg4[%select_n3A, %mul3A_41] : memref<16x65536xf32, #tpu.memory_space<hbm>> -> memref<1x32768xf32, #tpu.memory_space<hbm>>
      %dma_wait3A_50 = tpu.memref_squeeze %dma_wait3A_49 : memref<1x32768xf32, #tpu.memory_space<hbm>> -> memref<32768xf32, #tpu.memory_space<hbm>>
      tpu.wait_dma2 semaphore(%run_scoped3A : memref<!tpu.dma_semaphore, #tpu.memory_space<semaphore_mem>>) src(%arg8 : memref<32768xf32, #tpu.memory_space<vmem>>) dst(%dma_wait3A_50 : memref<32768xf32, #tpu.memory_space<hbm>>)
      tpu.yield
    }) : () -> ()
    %eq3A_42 = arith.constant 0 : i32
    %eq3A_43 = arith.cmpi eq, %select_n3A_30, %eq3A_42 : i32
    %convert_element_type3A = arith.extui %eq3A_43 : i1 to i32
    %cond3A = arith.constant 0 : i32
    %cond3A_44 = arith.cmpi ne, %convert_element_type3A, %cond3A : i32
    scf.if %cond3A_44 {
      %scan3A_45 = arith.constant 0 : i32
      %scan3A_46 = arith.constant 0 : i32
      %scan3A_47 = arith.constant 64 : i32
      %scan3A_48 = arith.addi %scan3A_46, %scan3A_47 : i32
      %scan3A_49 = arith.constant 1 : i32
      scf.for %scan3A_69 = %scan3A_46 to %scan3A_48 step %scan3A_49  : i32 {
        %broadcast_in_dim3A_70 = arith.constant 0.000000e+00 : f32
        %broadcast_in_dim3A_71 = vector.broadcast %broadcast_in_dim3A_70 : f32 to vector<16xf32>
        %mul3A_72 = arith.constant 16 : i32
        %mul3A_73 = arith.muli %scan3A_69, %mul3A_72 : i32
        %swap3A_74 = arith.index_cast %mul3A_73 : i32 to index
        %swap3A_75 = tpu.vector_load %arg9[%swap3A_74] {strides = array<i32>} : memref<1024xf32, #tpu.memory_space<vmem>>, vector<16xf32>,
        tpu.vector_store %arg9[%swap3A_74], %broadcast_in_dim3A_71 {strides = array<i32>} : memref<1024xf32, #tpu.memory_space<vmem>>, vector<16xf32>,
      }
      %scan3A_50 = arith.constant 64 : i32
      %scan3A_51 = arith.constant 0 : i32
      %scan3A_52 = arith.constant 0 : i32
      %scan3A_53 = arith.constant 64 : i32
      %scan3A_54 = arith.addi %scan3A_52, %scan3A_53 : i32
      %scan3A_55 = arith.constant 1 : i32
      scf.for %scan3A_69 = %scan3A_52 to %scan3A_54 step %scan3A_55  : i32 {
        %mul3A_70 = arith.constant 16 : i32
        %mul3A_71 = arith.muli %scan3A_69, %mul3A_70 : i32
        %get3A = arith.index_cast %mul3A_71 : i32 to index
        %get3A_72 = tpu.vector_load %arg6[%get3A] {strides = array<i32>} : memref<1024xi32, #tpu.memory_space<vmem>>, vector<16xi32>,
        %broadcast_in_dim3A_73 = arith.constant 1.000000e+00 : f32
        %broadcast_in_dim3A_74 = vector.broadcast %broadcast_in_dim3A_73 : f32 to vector<16xf32>
        tpu.vector_store_idx %arg9[%get3A_72], %broadcast_in_dim3A_74 : memref<1024xf32, #tpu.memory_space<vmem>>[vector<16xi32>], vector<16xf32>,
      }
      %scan3A_56 = arith.constant 64 : i32
      %broadcast_in_dim3A = arith.constant 0.000000e+00 : f32
      %broadcast_in_dim3A_57 = vector.broadcast %broadcast_in_dim3A : f32 to vector<16xf32>
      %scan3A_58 = arith.constant 0 : i32
      %scan3A_59 = arith.constant 64 : i32
      %scan3A_60 = arith.addi %scan3A_58, %scan3A_59 : i32
      %scan3A_61 = arith.constant 1 : i32
      %scan3A_62 = scf.for %scan3A_69 = %scan3A_58 to %scan3A_60 step %scan3A_61 iter_args(%scan3A_70 = %broadcast_in_dim3A_57) -> (vector<16xf32>)  : i32 {
        %mul3A_71 = arith.constant 16 : i32
        %mul3A_72 = arith.muli %scan3A_69, %mul3A_71 : i32
        %get3A = arith.index_cast %mul3A_72 : i32 to index
        %get3A_73 = tpu.vector_load %arg9[%get3A] {strides = array<i32>} : memref<1024xf32, #tpu.memory_space<vmem>>, vector<16xf32>,
        %add3A_74 = arith.addf %scan3A_70, %get3A_73 : vector<16xf32>
        scf.yield %add3A_74 : vector<16xf32>
      }
      %scan3A_63 = arith.constant 64 : i32
      %reduce_sum3A = arith.constant true
      %reduce_sum3A_64 = vector.broadcast %reduce_sum3A : i1 to vector<16xi1>
      %reduce_sum3A_65 = tpu.scan <sum>, %scan3A_62 masked %reduce_sum3A_64 : vector<16xf32>, vector<16xi1> -> vector<16xf32>
      %reduce_sum3A_66 = vector.extract %reduce_sum3A_65[15] : f32 from vector<16xf32>
      %broadcast_in_dim3A_67 = vector.broadcast %reduce_sum3A_66 : f32 to vector<16xf32>
      %swap3A = arith.constant 0 : index
      %swap3A_68 = tpu.vector_load %arg10[%swap3A] {strides = array<i32>} : memref<16xf32, #tpu.memory_space<vmem>>, vector<16xf32>,
      tpu.vector_store %arg10[%swap3A], %broadcast_in_dim3A_67 {strides = array<i32>} : memref<16xf32, #tpu.memory_space<vmem>>, vector<16xf32>,
      "tpu.region"() ({
        %run_scoped3A = tpu.sem_alloc : memref<!tpu.dma_semaphore, #tpu.memory_space<semaphore_mem>>
        %dma_start3A = arith.constant 0 : i32
        %dma_start3A_69 = tpu.memref_slice %arg5[%select_n3A, %dma_start3A] : memref<16x16xf32, #tpu.memory_space<hbm>> -> memref<1x16xf32, #tpu.memory_space<hbm>>
        %dma_start3A_70 = tpu.memref_squeeze %dma_start3A_69 : memref<1x16xf32, #tpu.memory_space<hbm>> -> memref<16xf32, #tpu.memory_space<hbm>>
        %dma_start3A_71 = arith.constant 0 : i32
        %dma_start3A_72 = tpu.memref_slice %arg5[%select_n3A, %dma_start3A_71] : memref<16x16xf32, #tpu.memory_space<hbm>> -> memref<1x16xf32, #tpu.memory_space<hbm>>
        %dma_start3A_73 = tpu.memref_squeeze %dma_start3A_72 : memref<1x16xf32, #tpu.memory_space<hbm>> -> memref<16xf32, #tpu.memory_space<hbm>>
        tpu.enqueue_dma source(%arg10 : memref<16xf32, #tpu.memory_space<vmem>>) target(%dma_start3A_73 : memref<16xf32, #tpu.memory_space<hbm>>) target_semaphore(%run_scoped3A : memref<!tpu.dma_semaphore, #tpu.memory_space<semaphore_mem>>)
        %dma_wait3A = arith.constant 0 : i32
        %dma_wait3A_74 = tpu.memref_slice %arg5[%select_n3A, %dma_wait3A] : memref<16x16xf32, #tpu.memory_space<hbm>> -> memref<1x16xf32, #tpu.memory_space<hbm>>
        %dma_wait3A_75 = tpu.memref_squeeze %dma_wait3A_74 : memref<1x16xf32, #tpu.memory_space<hbm>> -> memref<16xf32, #tpu.memory_space<hbm>>
        %dma_wait3A_76 = arith.constant 0 : i32
        %dma_wait3A_77 = tpu.memref_slice %arg5[%select_n3A, %dma_wait3A_76] : memref<16x16xf32, #tpu.memory_space<hbm>> -> memref<1x16xf32, #tpu.memory_space<hbm>>
        %dma_wait3A_78 = tpu.memref_squeeze %dma_wait3A_77 : memref<1x16xf32, #tpu.memory_space<hbm>> -> memref<16xf32, #tpu.memory_space<hbm>>
        tpu.wait_dma2 semaphore(%run_scoped3A : memref<!tpu.dma_semaphore, #tpu.memory_space<semaphore_mem>>) src(%arg10 : memref<16xf32, #tpu.memory_space<vmem>>) dst(%dma_wait3A_78 : memref<16xf32, #tpu.memory_space<hbm>>)
        tpu.yield
      }) : () -> ()
    } else {
    }
    return
  }
}

module attributes {stable_mosaic.version = 14 : i64} {
  func.func @_tc_body(%arg0: i32, %arg1: memref<1x64x1024xf32, #tpu.memory_space<vmem>>, %arg2: memref<1024x64xf32, #tpu.memory_space<vmem>>, %arg3: memref<1x1x1024xi32, #tpu.memory_space<vmem>>, %arg4: memref<1x1xf32, #tpu.memory_space<smem>>) attributes {dimension_semantics = [#tpu.dimension_semantics<arbitrary>], iteration_bounds = array<i64: 16>, scalar_prefetch = 0 : i64, scratch_operands = 0 : i64, tpu.core_type = #tpu.core_type<tc>, window_params = [{transform_indices = @transform_0, window_bounds = array<i64: 1, 64, 1024>}, {pipeline_mode = #tpu.pipeline_mode<synchronous>, transform_indices = @transform_1, window_bounds = array<i64: 1024, 64>}, {transform_indices = @transform_2, window_bounds = array<i64: 1, 1, 1024>}, {transform_indices = @transform_3, window_bounds = array<i64: 1, 1>}]} {
    %get3A = arith.constant 0 : index
    %get3A_0 = arith.constant 0 : index
    %get3A_1 = arith.constant 0 : index
    %get3A_2 = vector.load %arg1[%get3A, %get3A_0, %get3A_1] : memref<1x64x1024xf32, #tpu.memory_space<vmem>>, vector<1x64x1024xf32>
    %get3A_3 = vector.shape_cast %get3A_2 : vector<1x64x1024xf32> to vector<64x1024xf32>
    %get3A_4 = arith.constant 0 : index
    %get3A_5 = arith.constant 0 : index
    %get3A_6 = vector.load %arg2[%get3A_4, %get3A_5] : memref<1024x64xf32, #tpu.memory_space<vmem>>, vector<1024x64xf32>
    %mul3A = arith.mulf %get3A_6, %get3A_6 : vector<1024x64xf32>
    %reduce_sum3A = arith.constant dense<0.000000e+00> : vector<1024xf32>
    %reduce_sum3A_7 = vector.multi_reduction <add>, %mul3A, %reduce_sum3A [1] : vector<1024x64xf32> to vector<1024xf32>
    %broadcast_in_dim3A = vector.shape_cast %reduce_sum3A_7 : vector<1024xf32> to vector<1024x1xf32>
    %mul3A_8 = arith.constant -2.000000e+00 : f32
    %mul3A_9 = vector.broadcast %mul3A_8 : f32 to vector<1024x64xf32>
    %mul3A_10 = arith.mulf %mul3A_9, %get3A_6 : vector<1024x64xf32>
    %dot_general3A = arith.constant dense<0.000000e+00> : vector<1024x1024xf32>
    %dot_general3A_11 = tpu.matmul %mul3A_10, %get3A_3, %dot_general3A {dimension_numbers = #tpu.dot_dimension_numbers<[1], [0], [0], [1], [0, 0, 1, 1], [], []>, transpose_lhs_hint = false} : vector<1024x64xf32>, vector<64x1024xf32>, vector<1024x1024xf32> -> vector<1024x1024xf32>
    %add3A = vector.broadcast %broadcast_in_dim3A : vector<1024x1xf32> to vector<1024x1024xf32>
    %add3A_12 = arith.addf %add3A, %dot_general3A_11 : vector<1024x1024xf32>
    %reduce_min3A = arith.constant dense<0x7F800000> : vector<1024xf32>
    %reduce_min3A_13 = vector.multi_reduction <minimumf>, %add3A_12, %reduce_min3A [0] : vector<1024x1024xf32> to vector<1024xf32>
    %broadcast_in_dim3A_14 = vector.shape_cast %reduce_min3A_13 : vector<1024xf32> to vector<1x1024xf32>
    %iota3A = tpu.iota {dimensions = array<i32: 0>} : vector<1024x1024xi32>
    %eq3A = vector.broadcast %broadcast_in_dim3A_14 : vector<1x1024xf32> to vector<1024x1024xf32>
    %eq3A_15 = arith.cmpf oeq, %add3A_12, %eq3A : vector<1024x1024xf32>
    %jit3A = arith.constant 1024 : i32
    %broadcast_in_dim3A_16 = vector.broadcast %jit3A : i32 to vector<1024x1024xi32>
    %select_n3A = arith.select %eq3A_15, %iota3A, %broadcast_in_dim3A_16 : vector<1024x1024xi1>, vector<1024x1024xi32>
    %reduce_min3A_17 = arith.constant dense<2147483647> : vector<1024xi32>
    %reduce_min3A_18 = vector.multi_reduction <minsi>, %select_n3A, %reduce_min3A_17 [0] : vector<1024x1024xi32> to vector<1024xi32>
    %swap3A = arith.constant 0 : index
    %swap3A_19 = arith.constant 0 : index
    %swap3A_20 = arith.constant 0 : index
    %swap3A_21 = vector.load %arg3[%swap3A, %swap3A_19, %swap3A_20] : memref<1x1x1024xi32, #tpu.memory_space<vmem>>, vector<1x1x1024xi32>
    %swap3A_22 = vector.shape_cast %swap3A_21 : vector<1x1x1024xi32> to vector<1024xi32>
    %swap3A_23 = vector.shape_cast %reduce_min3A_18 : vector<1024xi32> to vector<1x1x1024xi32>
    tpu.vector_store %arg3[%swap3A, %swap3A_19, %swap3A_20], %swap3A_23 {strides = array<i32>} : memref<1x1x1024xi32, #tpu.memory_space<vmem>>, vector<1x1x1024xi32>,
    %reduce_sum3A_24 = vector.shape_cast %broadcast_in_dim3A_14 : vector<1x1024xf32> to vector<1x1x1024xf32>
    %reduce_sum3A_25 = arith.constant dense<0.000000e+00> : vector<1xf32>
    %reduce_sum3A_26 = vector.multi_reduction <add>, %reduce_sum3A_24, %reduce_sum3A_25 [1, 2] : vector<1x1x1024xf32> to vector<1xf32>
    %reduce_sum3A_27 = vector.shape_cast %reduce_sum3A_26 : vector<1xf32> to vector<1x1x1xf32>
    %reduce_sum3A_28 = vector.extract %reduce_sum3A_27[0, 0, 0] : f32 from vector<1x1x1xf32>
    %mul3A_29 = arith.mulf %get3A_3, %get3A_3 : vector<64x1024xf32>
    %reduce_sum3A_30 = vector.shape_cast %mul3A_29 : vector<64x1024xf32> to vector<1x64x1024xf32>
    %reduce_sum3A_31 = arith.constant dense<0.000000e+00> : vector<1xf32>
    %reduce_sum3A_32 = vector.multi_reduction <add>, %reduce_sum3A_30, %reduce_sum3A_31 [1, 2] : vector<1x64x1024xf32> to vector<1xf32>
    %reduce_sum3A_33 = vector.shape_cast %reduce_sum3A_32 : vector<1xf32> to vector<1x1x1xf32>
    %reduce_sum3A_34 = vector.extract %reduce_sum3A_33[0, 0, 0] : f32 from vector<1x1x1xf32>
    %add3A_35 = arith.addf %reduce_sum3A_28, %reduce_sum3A_34 : f32
    %eq3A_36 = arith.constant 0 : i32
    %eq3A_37 = arith.cmpi eq, %arg0, %eq3A_36 : i32
    %convert_element_type3A = arith.extui %eq3A_37 : i1 to i32
    %cond3A = arith.constant 0 : i32
    %cond3A_38 = arith.cmpi ne, %convert_element_type3A, %cond3A : i32
    scf.if %cond3A_38 {
      %swap3A_43 = arith.constant 0 : index
      %swap3A_44 = arith.constant 0 : index
      %swap3A_45 = memref.load %arg4[%swap3A_43, %swap3A_44] : memref<1x1xf32, #tpu.memory_space<smem>>
      memref.store %add3A_35, %arg4[%swap3A_43, %swap3A_44] : memref<1x1xf32, #tpu.memory_space<smem>>
    } else {
    }
    %gt3A = arith.constant 0 : i32
    %gt3A_39 = arith.cmpi sgt, %arg0, %gt3A : i32
    %convert_element_type3A_40 = arith.extui %gt3A_39 : i1 to i32
    %cond3A_41 = arith.constant 0 : i32
    %cond3A_42 = arith.cmpi ne, %convert_element_type3A_40, %cond3A_41 : i32
    scf.if %cond3A_42 {
      %get3A_43 = arith.constant 0 : index
      %get3A_44 = arith.constant 0 : index
      %get3A_45 = memref.load %arg4[%get3A_43, %get3A_44] : memref<1x1xf32, #tpu.memory_space<smem>>
      %add3A_46 = arith.addf %get3A_45, %add3A_35 : f32
      %swap3A_47 = arith.constant 0 : index
      %swap3A_48 = arith.constant 0 : index
      %swap3A_49 = memref.load %arg4[%swap3A_47, %swap3A_48] : memref<1x1xf32, #tpu.memory_space<smem>>
      memref.store %add3A_46, %arg4[%swap3A_47, %swap3A_48] : memref<1x1xf32, #tpu.memory_space<smem>>
    } else {
    }
    return
  }
  func.func @transform_0(%arg0: i32) -> (i32, i32, i32) {
    %c0_i32 = arith.constant 0 : i32
    %c0_i32_0 = arith.constant 0 : i32
    %c0_i32_1 = arith.constant 0 : i32
    return %arg0, %c0_i32, %c0_i32_0 : i32, i32, i32
  }
  func.func @transform_1(%arg0: i32) -> (i32, i32) {
    %c0_i32 = arith.constant 0 : i32
    %c0_i32_0 = arith.constant 0 : i32
    %c0_i32_1 = arith.constant 0 : i32
    return %c0_i32, %c0_i32_0 : i32, i32
  }
  func.func @transform_2(%arg0: i32) -> (i32, i32, i32) {
    %c0_i32 = arith.constant 0 : i32
    %c0_i32_0 = arith.constant 0 : i32
    %c0_i32_1 = arith.constant 0 : i32
    return %arg0, %c0_i32, %c0_i32_0 : i32, i32, i32
  }
  func.func @transform_3(%arg0: i32) -> (i32, i32) {
    %c0_i32 = arith.constant 0 : i32
    %c0_i32_0 = arith.constant 0 : i32
    %c0_i32_1 = arith.constant 0 : i32
    return %c0_i32, %c0_i32_0 : i32, i32
  }
}

</mosaic_0001>

<sc_bundles>
// kernel: kernel.4.cloned.1.call-start
scs
__scs_entry_jumppad:
0x0: {  	(pc) =	sbr.rel $0x88, $3  }
0x1: {  	(tag) =	ssettag $0x0;
	lr =	simm.s32 $0x1  }
0x2: {  	[smem:$0x3F9F] =	sst lr;
	_ =	strace $0xD0000000  }
0x3: {  	_ = 	snop  }
0x4: {  	_ = 	snop  }
0x5: {  	_ = 	snop  }
0x6: {  	_ = 	snop  }
0x7: {  	_ = 	snop  }
__scs_overlays_trampoline_lowered:
0x8: {  	[smem:$0x3FAE] =	sst s0  }
0x9: {  	[smem:$0x3FAF] =	sst s1  }
0xa: {  	[smem:$0x3FB0] =	sst s2  }
0xb: {  	[smem:$0x3FB1] =	sst s3  }
0xc: {  	[smem:$0x3FB2] =	sst s4  }
0xd: {  	[smem:$0x3FB3] =	sst s5  }
0xe: {  	[smem:$0x3FB4] =	sst s6  }
0xf: {  	[smem:$0x3FB5] =	sst s7  }
0x10: {  	[smem:$0x3FB6] =	sst s8  }
0x11: {  	[smem:$0x3FB7] =	sst s9;
	s0 =	simm.s32 @!p0 $0x0  }
0x12: {  	s1 =	sld [smem:$0x3F9D];
	s0 =	simm.s32 @p0 $0x1  }
0x13: {  	[smem:$0x3FB8] =	sst s0;
	s0 =	simm.s32 @!p1 $0x0  }
0x14: {  	s2 =	sld [smem:$0x3F9C];
	s0 =	simm.s32 @p1 $0x1  }
0x15: {  	[smem:$0x3FB9] =	sst s0;
	s0 =	simm.s32 @!p2 $0x0  }
0x16: {  	s3 =	sld [smem:$0x3FDB];
	s0 =	simm.s32 @p2 $0x1  }
0x17: {  	s4 =	simm.s32 $0x1BF5;
	[smem:$0x3FBB] =	sst s0  }
0x18: {  	s0 =	sld [smem:$0x3F9E];
	_ =	swait.ge [sflag:s4], $0x0  }
0x19: {  	s7 =	sld [smem:$0x3F9F]  }
0x1a: {  	s8 =	sadd.s32 $0xFFFFE003, lr  }
0x1b: {  	s9 =	sadd.s32 $0xFFFFFEF7, lr;
	s5 =	simm.s32 $0xFFFFFFFF;
	p2 =	slt.u32 s8, $0xFFFFF086  }
0x1c: {  	p1 =	slt.u32 s9, $0xF7A;
	s5 =	simm.s32 @!p2 $0x0  }
0x1d: {  	s5 =	simm.s32 @p1 $0x1;
	p0 =	seq.s32 s7, s2  }
0x1e: {  	s7 =	smul.u32 @!p0 $0xF7A, s2;
	p2 =	seq.s32 @!p0 s5, $0x0  }
0x1f: {  	s9 =	smul.u32 $0xF7A, s1;
	s8 =	simm.s32 @!p0 $0x1BF5;
	p2 =	por !p2, p0  }
0x20: {  	[sflag:s8] =	ssyncset.s32 @!p0 $0xFFFFF086;
	s6 =	sadd.s32 @!p0 s3, s7;
	s7 =	simm.s32 @!p0 $0x108  }
0x21: {  	s3 =	sadd.s32 s3, s9;
	s6 =	sadd.s32 @!p0 $0x88, s6;
	s7 =	simm.s32 @p2 $0x1082  }
0x22: {  	[simem:s7], [sflag:s8] =	dma.local @!p0 [hbm:s6], $0xF7A  }
0x23: {  	s9 =	sor.u32 $0xD0000000, s2;
	s6 =	simm.s32 $0x108;
	_ =	swait.ge @!p0 [sflag:s8], $0x0  }
0x24: {  	s3 =	sadd.s32 $0x88, s3;
	s6 =	simm.s32 @!p1 $0x1082;
	[sflag:s4] =	ssyncset.s32 $0xFFFFF086  }
0x25: {  	[simem:s6], [sflag:s4] =	dma.local [hbm:s3], $0xF7A  }
0x26: {  	[smem:$0x3F9F] =	sst s1;
	(tag) =	ssettag s2;
	_ =	strace s9  }
0x27: {  	s1 =	sld [smem:$0x3FAF]  }
0x28: {  	s2 =	sld [smem:$0x3FB0]  }
0x29: {  	s4 =	sld [smem:$0x3FB2]  }
0x2a: {  	p0 =	seq.s32 s5, $0x0;
	s5 =	sld [smem:$0x3FB3]  }
0x2b: {  	s6 =	sld [smem:$0x3FB4]  }
0x2c: {  	s7 =	sld [smem:$0x3FB5]  }
0x2d: {  	s3 =	simm.s32 $0x108;
	s8 =	sld [smem:$0x3FB6]  }
0x2e: {  	s3 =	simm.s32 @!p0 $0x1082;
	s9 =	sld [smem:$0x3FB7]  }
0x2f: {  	lr =	sadd.s32 s0, s3;
	s0 =	sld [smem:$0x3FAE]  }
0x30: {  	s3 =	sld [smem:$0x3FB1]  }
0x31: {  	[smem:$0x3FBA] =	sst s10  }
0x32: {  	s10 =	sld [smem:$0x3FB8];
	_ =	sdelay $0x3  }
0x33: {  	p0 =	seq.s32 s10, $0x1;
	s10 =	sld [smem:$0x3FBA];
	_ =	sdelay $0x3  }
0x34: {  	[smem:$0x3FBA] =	sst s10  }
0x35: {  	s10 =	sld [smem:$0x3FB9];
	_ =	sdelay $0x3  }
0x36: {  	p1 =	seq.s32 s10, $0x1;
	s10 =	sld [smem:$0x3FBA];
	_ =	sdelay $0x3  }
0x37: {  	[smem:$0x3FBA] =	sst s10  }
0x38: {  	s10 =	sld [smem:$0x3FBB]  }
0x39: {  	_ = 	snop;
	(pc) =	sbr.ind lr, $3  }
0x3a: {  	_ = 	snop  }
0x3b: {  	_ = 	snop  }
0x3c: {  	p2 =	seq.s32 s10, $0x1;
	s10 =	sld [smem:$0x3FBA]  }
0x3d: {  	_ =	shalt  }
0x3e: {  	_ =	shalt  }
0x3f: {  	_ =	shalt  }
0x40: {  	_ =	shalt  }
0x41: {  	_ =	shalt  }
0x42: {  	_ =	shalt  }
0x43: {  	_ =	shalt  }
0x44: {  	_ =	shalt  }
0x45: {  	_ =	shalt  }
0x46: {  	_ =	shalt  }
0x47: {  	_ =	shalt  }
0x48: {  	_ =	shalt  }
0x49: {  	_ =	shalt  }
0x4a: {  	_ =	shalt  }
0x4b: {  	_ =	shalt  }
0x4c: {  	_ =	shalt  }
0x4d: {  	_ =	shalt  }
0x4e: {  	_ =	shalt  }
0x4f: {  	_ =	shalt  }
0x50: {  	_ =	shalt  }
0x51: {  	_ =	shalt  }
0x52: {  	_ =	shalt  }
0x53: {  	_ =	shalt  }
0x54: {  	_ =	shalt  }
0x55: {  	_ =	shalt  }
0x56: {  	_ =	shalt  }
0x57: {  	_ =	shalt  }
0x58: {  	_ =	shalt  }
0x59: {  	_ =	shalt  }
0x5a: {  	_ =	shalt  }
0x5b: {  	_ =	shalt  }
0x5c: {  	_ =	shalt  }
0x5d: {  	_ =	shalt  }
0x5e: {  	_ =	shalt  }
0x5f: {  	_ =	shalt  }
0x60: {  	_ =	shalt  }
0x61: {  	_ =	shalt  }
0x62: {  	_ =	shalt  }
0x63: {  	_ =	shalt  }
0x64: {  	_ =	shalt  }
0x65: {  	_ =	shalt  }
0x66: {  	_ =	shalt  }
0x67: {  	_ =	shalt  }
0x68: {  	_ =	shalt  }
0x69: {  	_ =	shalt  }
0x6a: {  	_ =	shalt  }
0x6b: {  	_ =	shalt  }
0x6c: {  	_ =	shalt  }
0x6d: {  	_ =	shalt  }
0x6e: {  	_ =	shalt  }
0x6f: {  	_ =	shalt  }
0x70: {  	_ =	shalt  }
0x71: {  	_ =	shalt  }
0x72: {  	_ =	shalt  }
0x73: {  	_ =	shalt  }
0x74: {  	_ =	shalt  }
0x75: {  	_ =	shalt  }
0x76: {  	_ =	shalt  }
0x77: {  	_ =	shalt  }
0x78: {  	_ =	shalt  }
0x79: {  	_ =	shalt  }
0x7a: {  	_ =	shalt  }
0x7b: {  	_ =	shalt  }
0x7c: {  	_ =	shalt  }
0x7d: {  	_ =	shalt  }
0x7e: {  	_ =	shalt  }
0x7f: {  	_ =	shalt  }
0x80: {  	_ =	shalt  }
0x81: {  	_ =	shalt  }
0x82: {  	_ =	shalt  }
0x83: {  	_ =	shalt  }
0x84: {  	_ =	shalt  }
0x85: {  	_ =	shalt  }
0x86: {  	_ =	shalt  }
0x87: {  	_ =	shalt  }
.Lfunc_end0:
.L_simem_size_0:
called_computation_lowered:
.L_overlay_start_0:
0x88: {  	s2 =	sld [smem:$0x3FD9]  }
0x89: {  	s3 =	sld [smem:$0x3FFE];
	_ =	sdelay $0x1  }
0x8a: {  	s1 =	srdreg.scid  }
0x8b: {  	s0 =	sand.u32 $0x1, s1  }
0x8c: {  	s14 =	sshll.u32 s0, $0xA;
	s2 =	sadd.s32 s3, s2  }
0x8d: {  	s2 =	sadd.s32 s2, s14  }
0x8e: {  	[smem:$0x3FC6] =	sst s2  }
0x8f: {  	_ = 	snop  }
0x90: {  	s2 =	sld [smem:$0x3FD0];
	_ =	sdelay $0x2  }
0x91: {  	s15 =	simm.s32 $0xA;
	s4 =	simm.s32 $0x10  }
0x92: {  	[smem:s4], [sflag:s15] =	dma.local [hbm:s2], $0x1  }
0x93: {  	_ =	swait.eq [sflag:s15], $0x1  }
0x94: {  	[sflag:s15] =	ssyncset.done $0x0  }
0x95: {  	[sflag:s15] =	ssyncadd.s32 $0xFFFFFFFF  }
0x96: {  	s16 =	sld [smem:$0x10];
	(tm) =	ssettm $0x1  }
0x97: {  	s17 =	sld [smem:$0x3FFB];
	_ =	sdelay $0x3  }
0x98: {  	_ =	strace s17  }
0x99: {  	s3 =	sld [smem:$0x3FFC];
	_ =	sdelay $0x3  }
0x9a: {  	_ =	strace s3  }
0x9b: {  	s3 =	sld [smem:$0x3FFD];
	_ =	sdelay $0x3  }
0x9c: {  	_ =	strace s3  }
0x9d: {  	_ =	strace $0x8FFFFFFF  }
0x9e: {  	s18 =	sld [smem:$0x3FDB];
	_ =	sdelay $0x1  }
0x9f: {  	s19 =	simm.s32 $_scs_section_size  }
0xa0: {  	s5 =	simm.s32 $_size__tile_overlayer_lowered;
	s6 =	simm.s32 $_tile_overlayer_lowered  }
0xa1: {  	s22 =	simm.s32 $0x1BFF;
	s21 =	sshll.u32 s6, $0x1;
	s3 =	sadd.s32 s19, s18  }
0xa2: {  	s7 =	simm.s32 $0x0;
	s20 =	sshll.u32 s5, $0x1;
	s5 =	sadd.s32 s21, s3  }
0xa3: {  	[timem:s7], [sflag:s22] =	dma.local [hbm:s5], s20  }
0xa4: {  	_ =	swait.ge [sflag:s22], s20  }
0xa5: {  	s4 =	ssub.s32 $0x0, s20;
	[sflag:s22] =	ssyncset.done $0x0  }
0xa6: {  	[sflag:s22] =	ssyncadd.s32 s4;
	_ =	sdelay $0x1  }
0xa7: {  	s23 =	simm.s32 $0x1B8B  }
0xa8: {  	_ =	swait.ge [sflag:s23], $0x1  }
0xa9: {  	[sflag:s23] =	ssyncset.done $0x0  }
0xaa: {  	s25 =	simm.s32 $0x1B8E;
	s24 =	sld [smem:$0x3FFE];
	[sflag:s23] =	ssyncadd.s32 $0xFFFFFFFF  }
0xab: {  	s26 =	simm.s32 $execute0_lowered;
	[smem:$0x3FD2] =	sst s25  }
0xac: {  	s5 =	sshll.u32 s26, $0x1;
	_ =	strace $0x80000046;
	[dreg:$0x1] =	wrdreg $0xFFFFFFFF  }
0xad: {  	s28 =	simm.s32 $_size_execute0_lowered;
	s3 =	sadd.s32 s3, s5;
	[dreg:$0x0] =	wrdreg $0x0  }
0xae: {  	s5 =	sshll.u32 s28, $0x1;
	[dreg:$0x2] =	wrdreg s3  }
0xaf: {  	[dreg:$0x3] =	wrdreg s5  }
0xb0: {  	[dreg:$0x4] =	wrdreg $0xC0  }
0xb1: {  	_ =	task [dreg:s7], $0x5FFFF  }
0xb2: {  	[dreg:$0x1] =	wrdreg $0xFFFFFFFF  }
0xb3: {  	[dreg:$0x0] =	wrdreg $0x60  }
0xb4: {  	[dreg:$0x2] =	wrdreg s24  }
0xb5: {  	[dreg:$0x3] =	wrdreg s16  }
0xb6: {  	[dreg:$0x4] =	wrdreg $0x9  }
0xb7: {  	_ =	task.clear_ibuf [dreg:s7], $0x5FFFF;
	_ =	strace $0x90000046  }
0xb8: {  	s29 =	simm.s32 $0x9;
	_ =	strace $0x80000048  }
0xb9: {  	_ =	swait.ge [sflag:s29], $0x1  }
0xba: {  	[sflag:s29] =	ssyncadd.s32 $0xFFFFFFFF  }
0xbb: {  	_ =	strace $0x90000048  }
0xbc: {  	_ =	sfence  }
0xbd: {  	s30 =	sld [smem:$0x0];
	_ =	sdelay $0x2  }
0xbe: {  	s31 =	sshll.u32 s1, $0xD;
	s1 =	sshrl.u32 s1, $0x2  }
0xbf: {  	s3 =	sand.u32 $0x4000, s31;
	s1 =	sadd.s32 s1, s30  }
0xc0: {  	s0 =	sor.u32 s3, s0;
	s1 =	sshll.u32 s1, $0x11  }
0xc1: {  	s0 =	sor.u32 s1, s0  }
0xc2: {  	s0 =	sadd.s32 $0x8F2B, s0  }
0xc3: {  	[sflag:s0] =	ssyncadd.remote.s32 $0x1  }
0xc4: {  	_ =	sfence.sel $0xFFFF  }
0xc5: {  	[dreg:$0x0] =	wrdreg $0xFFFFFFFF;
	(pc) =	sbr.abs _section_cstart, $3  }
0xc6: {  	[dreg:$0x1] =	wrdreg $0xFFFFFFFF  }
0xc7: {  	_ =	task.clear_ibuf [dreg:s7], $0x2FFFF;
	_ =	strace $0x9FFFFFFF  }
0xc8: {  	(tm) =	ssettm $0x7FFFFFFF  }
0xc9: {  	_ =	shalt  }
tec
execute0_lowered:
.L_overlay_start_1:
0x0: {  	(tag) =	ssettag $0x1  }
0x1: {  	s0 =	srdreg.scid  }
0x2: {  	s4 =	rddreg [dreg:$0x0];
	s11 =	sand.u32 $0x1, s0;
	s0 =	stileid.u32  }
0x3: {  	s6 =	rddreg [dreg:$0x1];
	s14 =	simm.s32 $0x0;
	s1 =	sor.u32 s11, s0  }
0x4: {  	p1 =	seq.s32 s11, $0x1;
	s8 =	sshll.u32 s11, $0xC;
	p0 =	seq.s32 s1, $0x0  }
0x5: {  	s12 =	sshll.u32 s11, $0x12;
	s13 =	ssub.s32 $0x2, s11;
	p0 =	por !p0, !p1  }
0x6: {  	s1 =	simm.s32 $0x1;
	s28 =	sshrl.u32 s13, $0x1;
	p0 =	por !p0, !p0  }
0x7: {  	s8 =	sadd.s32 s8, s4;
	s30 =	ssub.s32 s13, s28;
	s1 =	simm.s32 @!p0 $0x0  }
0x8: {  	s13 =	simm.s32 $0x10800;
	p0 =	sne.s32 s11, $0x0;
	s2 =	ssub.s32 s0, s1  }
0x9: {  	s11 =	simm.s32 $0x8400;
	s1 =	rddreg [dreg:$0x2];
	s3 =	sshll.u32 s2, $0x7  }
0xa: {  	s5 =	sshrl.u32 s2, $0x3;
	s2 =	simm.s32 $0x0;
	s7 =	sand.u32 $0x380, s3  }
0xb: {  	s26 =	sshll.u32 s5, $0xD;
	[smem:$0x7FF] =	sst s2;
	s10 =	sshll.u32 s5, $0xA  }
0xc: {  	s5 =	sshll.u32 s5, $0x13;
	s3 =	sor.u32 s7, s26;
	_ =	strace $0x80000047  }
0xd: {  	s10 =	sor.u32 s7, s10;
	s5 =	sor.u32 s12, s5;
	s12 =	simm.s32 $0x10400  }
.Ltmp0:
0xe: {  	s9 =	sshrl.u32 s3, $0x3;
	s3 =	simm.s32 $0x1;
	(pc) =	sbr.rel .LBB2_1-.Ltmp0, $4  }
0xf: {  	s10 =	sshrl.u32 s10, $0x3;
	s5 =	sor.u32 s7, s5;
	s9 =	sadd.s32 s9, s4  }
0x10: {  	s29 =	sadd.s32 s10, s4;
	s31 =	sshrl.u32 s5, $0x3;
	s5 =	sadd.s32 $0xC00, s8  }
0x11: {  	s8 =	smax.u32 s30, $0x1;
	s10 =	simm.s32 $0x400;
	s4 =	sadd.s32 $0x400, s9  }
0x12: {  	v0 =	vimm.f32 $0.0e+00;
	v1 =	vimm.f32 $1.000000000e+00;
	s6 =	sadd.s32 s6, s31;
	s7 =	sadd.s32 $0x2C00, s29;
	s9 =	simm.s32 $0x80  }
.LBB2_10:
0x13: {  	v2 =	vadd.f32 v3, v2;
	_ =	sdelay $0x1  }
0x14: {  	(xrf2) =	vadd.scan.msk.f32 $0xffff, v2;
	_ =	sdelay $0x9  }
0x15: {  	v2, _, _ =	vpop (xrf2)  }
0x16: {  	v2 =	vbroadcast v2, $0xF;
	_ =	sdelay $0x1  }
0x17: {  	[tilespmem:$0x10800] =	vst v2  }
0x18: {  	[hbm4b:s7+s2] =	stream.linear.scatter [tilespmem:s13], [sflag:$0x1], $0x80, $0x38;
	[tilespmem:$0x10880] =	vst v63  }
0x19: {  	_ =	swait.ge [sflag:s3], $0x80  }
0x1a: {  	[sflag:s3] =	ssyncset.done $0x0  }
0x1b: {  	[sflag:s3] =	ssyncadd.s32 $0xFFFFFF80  }
.LBB2_11:
0x1c: {  	s14 =	sadd.s32 $0x1, s14  }
0x1d: {  	p1 =	sne.s32 s14, s8  }
.Ltmp1:
0x1e: {  	_ = 	snop;
	(pc) =	sbr.rel @!p1 .LBB2_12-.Ltmp1, $1  }
0x1f: {  	_ =	sdelay $0x3  }
.LBB2_1:
0x20: {  	[tilespmem:s2], [sflag:$0x1] =	stream.strided.gather [hbm4b:s4+s9], $0x400, s10, s9, $0x38;
	[tilespmem:$0x10880] =	vst v63  }
0x21: {  	_ =	swait.ge [sflag:s3], $0x400  }
0x22: {  	[sflag:s3] =	ssyncset.done $0x0  }
0x23: {  	[sflag:s3] =	ssyncadd.s32 $0xFFFFFC00  }
0x24: {  	[tilespmem:s10], [sflag:$0x1] =	stream.linear.gather [hbm4b:s5+s2], $0x8000, $0x38;
	[tilespmem:$0x10880] =	vst v63  }
0x25: {  	_ =	swait.ge [sflag:s3], $0x8000  }
0x26: {  	[sflag:s3] =	ssyncset.done $0x0  }
0x27: {  	[sflag:s3] =	ssyncadd.s32 $0xFFFF8000  }
0x28: {  	v2 =	vld [tilespmem:s2+$0x0];
	_ =	sdelay $0x7  }
0x29: {  	v3 =	vld.idx.msk [tilespmem:v2+s10+$0x0], $0xffff  }
0x2a: {  	v4 =	vadd.s32 $0x400, v2;
	_ =	sdelay $0x3  }
0x2b: {  	[tilespmem:s11+$0x0] =	vst v3  }
0x2c: {  	v3 =	vld.idx.msk [tilespmem:v4+s10+$0x0], $0xffff  }
0x2d: {  	v35 =	vadd.s32 $0x800, v2;
	_ =	sdelay $0x2  }
0x2e: {  	s15 =	sand.u32 $0x3F0, s2  }
0x2f: {  	[tilespmem:s15+$0x8800] =	vst v3  }
0x30: {  	v3 =	vld.idx.msk [tilespmem:v35+s10+$0x0], $0xffff  }
0x31: {  	v36 =	vadd.s32 $0xC00, v2;
	_ =	sdelay $0x3  }
0x32: {  	[tilespmem:s15+$0x8C00] =	vst v3  }
0x33: {  	v3 =	vld.idx.msk [tilespmem:v36+s10+$0x0], $0xffff  }
0x34: {  	v37 =	vadd.s32 $0x1000, v2;
	_ =	sdelay $0x3  }
0x35: {  	[tilespmem:s15+$0x9000] =	vst v3  }
0x36: {  	v3 =	vld.idx.msk [tilespmem:v37+s10+$0x0], $0xffff  }
0x37: {  	v38 =	vadd.s32 $0x1400, v2;
	_ =	sdelay $0x3  }
0x38: {  	[tilespmem:s15+$0x9400] =	vst v3  }
0x39: {  	v3 =	vld.idx.msk [tilespmem:v38+s10+$0x0], $0xffff  }
0x3a: {  	v39 =	vadd.s32 $0x1800, v2;
	_ =	sdelay $0x3  }
0x3b: {  	[tilespmem:s15+$0x9800] =	vst v3  }
0x3c: {  	v3 =	vld.idx.msk [tilespmem:v39+s10+$0x0], $0xffff  }
0x3d: {  	v40 =	vadd.s32 $0x1C00, v2;
	_ =	sdelay $0x3  }
0x3e: {  	[tilespmem:s15+$0x9C00] =	vst v3  }
0x3f: {  	v3 =	vld.idx.msk [tilespmem:v40+s10+$0x0], $0xffff  }
0x40: {  	v41 =	vadd.s32 $0x2000, v2;
	_ =	sdelay $0x3  }
0x41: {  	[tilespmem:s15+$0xA000] =	vst v3  }
0x42: {  	v3 =	vld.idx.msk [tilespmem:v41+s10+$0x0], $0xffff  }
0x43: {  	v42 =	vadd.s32 $0x2400, v2;
	_ =	sdelay $0x3  }
0x44: {  	[tilespmem:s15+$0xA400] =	vst v3  }
0x45: {  	v3 =	vld.idx.msk [tilespmem:v42+s10+$0x0], $0xffff  }
0x46: {  	v43 =	vadd.s32 $0x2800, v2;
	_ =	sdelay $0x3  }
0x47: {  	[tilespmem:s15+$0xA800] =	vst v3  }
0x48: {  	v3 =	vld.idx.msk [tilespmem:v43+s10+$0x0], $0xffff  }
0x49: {  	v44 =	vadd.s32 $0x2C00, v2;
	_ =	sdelay $0x3  }
0x4a: {  	[tilespmem:s15+$0xAC00] =	vst v3  }
0x4b: {  	v3 =	vld.idx.msk [tilespmem:v44+s10+$0x0], $0xffff  }
0x4c: {  	v45 =	vadd.s32 $0x3000, v2;
	_ =	sdelay $0x3  }
0x4d: {  	[tilespmem:s15+$0xB000] =	vst v3  }
0x4e: {  	v3 =	vld.idx.msk [tilespmem:v45+s10+$0x0], $0xffff  }
0x4f: {  	v46 =	vadd.s32 $0x3400, v2;
	_ =	sdelay $0x3  }
0x50: {  	[tilespmem:s15+$0xB400] =	vst v3  }
0x51: {  	v3 =	vld.idx.msk [tilespmem:v46+s10+$0x0], $0xffff  }
0x52: {  	v47 =	vadd.s32 $0x3800, v2;
	_ =	sdelay $0x3  }
0x53: {  	[tilespmem:s15+$0xB800] =	vst v3  }
0x54: {  	v3 =	vld.idx.msk [tilespmem:v47+s10+$0x0], $0xffff  }
0x55: {  	v48 =	vadd.s32 $0x3C00, v2;
	_ =	sdelay $0x3  }
0x56: {  	[tilespmem:s15+$0xBC00] =	vst v3  }
0x57: {  	v3 =	vld.idx.msk [tilespmem:v48+s10+$0x0], $0xffff  }
0x58: {  	v49 =	vadd.s32 $0x4000, v2;
	_ =	sdelay $0x3  }
0x59: {  	[tilespmem:s15+$0xC000] =	vst v3  }
0x5a: {  	v3 =	vld.idx.msk [tilespmem:v49+s10+$0x0], $0xffff  }
0x5b: {  	v50 =	vadd.s32 $0x4400, v2;
	_ =	sdelay $0x3  }
0x5c: {  	[tilespmem:s15+$0xC400] =	vst v3  }
0x5d: {  	v3 =	vld.idx.msk [tilespmem:v50+s10+$0x0], $0xffff  }
0x5e: {  	v51 =	vadd.s32 $0x4800, v2;
	_ =	sdelay $0x3  }
0x5f: {  	[tilespmem:s15+$0xC800] =	vst v3  }
0x60: {  	v3 =	vld.idx.msk [tilespmem:v51+s10+$0x0], $0xffff  }
0x61: {  	v52 =	vadd.s32 $0x4C00, v2;
	_ =	sdelay $0x3  }
0x62: {  	[tilespmem:s15+$0xCC00] =	vst v3  }
0x63: {  	v3 =	vld.idx.msk [tilespmem:v52+s10+$0x0], $0xffff  }
0x64: {  	v53 =	vadd.s32 $0x5000, v2;
	_ =	sdelay $0x3  }
0x65: {  	[tilespmem:s15+$0xD000] =	vst v3  }
0x66: {  	v3 =	vld.idx.msk [tilespmem:v53+s10+$0x0], $0xffff  }
0x67: {  	v54 =	vadd.s32 $0x5400, v2;
	_ =	sdelay $0x3  }
0x68: {  	[tilespmem:s15+$0xD400] =	vst v3  }
0x69: {  	v3 =	vld.idx.msk [tilespmem:v54+s10+$0x0], $0xffff  }
0x6a: {  	v55 =	vadd.s32 $0x5800, v2;
	_ =	sdelay $0x3  }
0x6b: {  	[tilespmem:s15+$0xD800] =	vst v3  }
0x6c: {  	v3 =	vld.idx.msk [tilespmem:v55+s10+$0x0], $0xffff  }
0x6d: {  	v56 =	vadd.s32 $0x5C00, v2;
	_ =	sdelay $0x3  }
0x6e: {  	[tilespmem:s15+$0xDC00] =	vst v3  }
0x6f: {  	v3 =	vld.idx.msk [tilespmem:v56+s10+$0x0], $0xffff  }
0x70: {  	v57 =	vadd.s32 $0x6000, v2;
	_ =	sdelay $0x3  }
0x71: {  	[tilespmem:s15+$0xE000] =	vst v3  }
0x72: {  	v3 =	vld.idx.msk [tilespmem:v57+s10+$0x0], $0xffff  }
0x73: {  	v58 =	vadd.s32 $0x6400, v2;
	_ =	sdelay $0x3  }
0x74: {  	[tilespmem:s15+$0xE400] =	vst v3  }
0x75: {  	v3 =	vld.idx.msk [tilespmem:v58+s10+$0x0], $0xffff  }
0x76: {  	v59 =	vadd.s32 $0x6800, v2;
	_ =	sdelay $0x3  }
0x77: {  	[tilespmem:s15+$0xE800] =	vst v3  }
0x78: {  	v3 =	vld.idx.msk [tilespmem:v59+s10+$0x0], $0xffff  }
0x79: {  	v60 =	vadd.s32 $0x6C00, v2;
	_ =	sdelay $0x3  }
0x7a: {  	[tilespmem:s15+$0xEC00] =	vst v3  }
0x7b: {  	v3 =	vld.idx.msk [tilespmem:v60+s10+$0x0], $0xffff  }
0x7c: {  	v61 =	vadd.s32 $0x7000, v2;
	_ =	sdelay $0x3  }
0x7d: {  	[tilespmem:s15+$0xF000] =	vst v3  }
0x7e: {  	v3 =	vld.idx.msk [tilespmem:v61+s10+$0x0], $0xffff  }
0x7f: {  	v62 =	vadd.s32 $0x7400, v2;
	_ =	sdelay $0x3  }
0x80: {  	[tilespmem:s15+$0xF400] =	vst v3  }
0x81: {  	v3 =	vld.idx.msk [tilespmem:v62+s10+$0x0], $0xffff  }
0x82: {  	v63 =	vadd.s32 $0x7800, v2;
	_ =	sdelay $0x3  }
0x83: {  	[tilespmem:s15+$0xF800] =	vst v3  }
0x84: {  	v3 =	vld.idx.msk [tilespmem:v63+s10+$0x0], $0xffff  }
0x85: {  	v2 =	vadd.s32 $0x7C00, v2;
	_ =	sdelay $0x3  }
0x86: {  	[tilespmem:s15+$0xFC00] =	vst v3  }
0x87: {  	v2 =	vld.idx.msk [tilespmem:v2+s10+$0x0], $0xffff;
	_ =	sdelay $0x4  }
0x88: {  	s16 =	simm.s32 $0x10;
	s17 =	simm.s32 $0x8400;
	[tilespmem:s15+$0x10000] =	vst v2;
	s15 =	simm.s32 $0x10  }
.LBB2_2:
0x89: {  	v3 =	vld [tilespmem:s15+$0x0];
	p1 =	sne.s32 s16, $0x3F0;
	_ =	sdelay $0x4  }
0x8a: {  	v2 =	vadd.s32 $0x7C00, v3;
	_ =	sdelay $0x2  }
0x8b: {  	v4 =	vld.idx.msk [tilespmem:v3+s10+$0x0], $0xffff;
	_ =	sdelay $0x1  }
0x8c: {  	v5 =	vadd.s32 $0x400, v3;
	_ =	sdelay $0x2  }
0x8d: {  	s17 =	sadd.s32 $0x10, s17  }
0x8e: {  	[tilespmem:s17+$0x0] =	vst v4  }
0x8f: {  	v4 =	vld.idx.msk [tilespmem:v5+s10+$0x0], $0xffff;
	_ =	sdelay $0x1  }
0x90: {  	v5 =	vadd.s32 $0x800, v3;
	_ =	sdelay $0x2  }
0x91: {  	s18 =	sand.u32 $0x3F0, s16  }
0x92: {  	[tilespmem:s18+$0x8800] =	vst v4  }
0x93: {  	v4 =	vld.idx.msk [tilespmem:v5+s10+$0x0], $0xffff;
	_ =	sdelay $0x1  }
0x94: {  	v5 =	vadd.s32 $0xC00, v3;
	_ =	sdelay $0x3  }
0x95: {  	[tilespmem:s18+$0x8C00] =	vst v4  }
0x96: {  	v4 =	vld.idx.msk [tilespmem:v5+s10+$0x0], $0xffff;
	_ =	sdelay $0x1  }
0x97: {  	v5 =	vadd.s32 $0x1000, v3;
	_ =	sdelay $0x3  }
0x98: {  	[tilespmem:s18+$0x9000] =	vst v4  }
0x99: {  	v4 =	vld.idx.msk [tilespmem:v5+s10+$0x0], $0xffff;
	_ =	sdelay $0x1  }
0x9a: {  	v5 =	vadd.s32 $0x1400, v3;
	_ =	sdelay $0x3  }
0x9b: {  	[tilespmem:s18+$0x9400] =	vst v4  }
0x9c: {  	v4 =	vld.idx.msk [tilespmem:v5+s10+$0x0], $0xffff;
	_ =	sdelay $0x1  }
0x9d: {  	v5 =	vadd.s32 $0x1800, v3;
	_ =	sdelay $0x3  }
0x9e: {  	[tilespmem:s18+$0x9800] =	vst v4  }
0x9f: {  	v4 =	vld.idx.msk [tilespmem:v5+s10+$0x0], $0xffff;
	_ =	sdelay $0x1  }
0xa0: {  	v5 =	vadd.s32 $0x1C00, v3;
	_ =	sdelay $0x3  }
0xa1: {  	[tilespmem:s18+$0x9C00] =	vst v4  }
0xa2: {  	v4 =	vld.idx.msk [tilespmem:v5+s10+$0x0], $0xffff;
	_ =	sdelay $0x1  }
0xa3: {  	v5 =	vadd.s32 $0x2000, v3;
	_ =	sdelay $0x3  }
0xa4: {  	[tilespmem:s18+$0xA000] =	vst v4  }
0xa5: {  	v4 =	vld.idx.msk [tilespmem:v5+s10+$0x0], $0xffff;
	_ =	sdelay $0x1  }
0xa6: {  	v5 =	vadd.s32 $0x2400, v3;
	_ =	sdelay $0x3  }
0xa7: {  	[tilespmem:s18+$0xA400] =	vst v4  }
0xa8: {  	v4 =	vld.idx.msk [tilespmem:v5+s10+$0x0], $0xffff;
	_ =	sdelay $0x1  }
0xa9: {  	v5 =	vadd.s32 $0x2800, v3;
	_ =	sdelay $0x3  }
0xaa: {  	[tilespmem:s18+$0xA800] =	vst v4  }
0xab: {  	v4 =	vld.idx.msk [tilespmem:v5+s10+$0x0], $0xffff;
	_ =	sdelay $0x1  }
0xac: {  	v5 =	vadd.s32 $0x2C00, v3;
	_ =	sdelay $0x3  }
0xad: {  	[tilespmem:s18+$0xAC00] =	vst v4  }
0xae: {  	v4 =	vld.idx.msk [tilespmem:v5+s10+$0x0], $0xffff;
	_ =	sdelay $0x1  }
0xaf: {  	v5 =	vadd.s32 $0x3000, v3;
	_ =	sdelay $0x3  }
0xb0: {  	[tilespmem:s18+$0xB000] =	vst v4  }
0xb1: {  	v4 =	vld.idx.msk [tilespmem:v5+s10+$0x0], $0xffff;
	_ =	sdelay $0x1  }
0xb2: {  	v5 =	vadd.s32 $0x3400, v3;
	_ =	sdelay $0x3  }
0xb3: {  	[tilespmem:s18+$0xB400] =	vst v4  }
0xb4: {  	v4 =	vld.idx.msk [tilespmem:v5+s10+$0x0], $0xffff;
	_ =	sdelay $0x1  }
0xb5: {  	v5 =	vadd.s32 $0x3800, v3;
	_ =	sdelay $0x3  }
0xb6: {  	[tilespmem:s18+$0xB800] =	vst v4  }
0xb7: {  	v4 =	vld.idx.msk [tilespmem:v5+s10+$0x0], $0xffff;
	_ =	sdelay $0x1  }
0xb8: {  	v5 =	vadd.s32 $0x3C00, v3;
	_ =	sdelay $0x3  }
0xb9: {  	[tilespmem:s18+$0xBC00] =	vst v4  }
0xba: {  	v4 =	vld.idx.msk [tilespmem:v5+s10+$0x0], $0xffff;
	_ =	sdelay $0x1  }
0xbb: {  	v5 =	vadd.s32 $0x4000, v3;
	_ =	sdelay $0x3  }
0xbc: {  	[tilespmem:s18+$0xC000] =	vst v4  }
0xbd: {  	v4 =	vld.idx.msk [tilespmem:v5+s10+$0x0], $0xffff;
	_ =	sdelay $0x1  }
0xbe: {  	v5 =	vadd.s32 $0x4400, v3;
	_ =	sdelay $0x3  }
0xbf: {  	[tilespmem:s18+$0xC400] =	vst v4  }
0xc0: {  	v4 =	vld.idx.msk [tilespmem:v5+s10+$0x0], $0xffff;
	_ =	sdelay $0x1  }
0xc1: {  	v5 =	vadd.s32 $0x4800, v3;
	_ =	sdelay $0x3  }
0xc2: {  	[tilespmem:s18+$0xC800] =	vst v4  }
0xc3: {  	v4 =	vld.idx.msk [tilespmem:v5+s10+$0x0], $0xffff;
	_ =	sdelay $0x1  }
0xc4: {  	v5 =	vadd.s32 $0x4C00, v3;
	_ =	sdelay $0x3  }
0xc5: {  	[tilespmem:s18+$0xCC00] =	vst v4  }
0xc6: {  	v4 =	vld.idx.msk [tilespmem:v5+s10+$0x0], $0xffff;
	_ =	sdelay $0x1  }
0xc7: {  	v5 =	vadd.s32 $0x5000, v3;
	_ =	sdelay $0x3  }
0xc8: {  	[tilespmem:s18+$0xD000] =	vst v4  }
0xc9: {  	v4 =	vld.idx.msk [tilespmem:v5+s10+$0x0], $0xffff;
	_ =	sdelay $0x1  }
0xca: {  	v5 =	vadd.s32 $0x5400, v3;
	_ =	sdelay $0x3  }
0xcb: {  	[tilespmem:s18+$0xD400] =	vst v4  }
0xcc: {  	v4 =	vld.idx.msk [tilespmem:v5+s10+$0x0], $0xffff;
	_ =	sdelay $0x1  }
0xcd: {  	v5 =	vadd.s32 $0x5800, v3;
	_ =	sdelay $0x3  }
0xce: {  	[tilespmem:s18+$0xD800] =	vst v4  }
0xcf: {  	v4 =	vld.idx.msk [tilespmem:v5+s10+$0x0], $0xffff;
	_ =	sdelay $0x1  }
0xd0: {  	v5 =	vadd.s32 $0x5C00, v3;
	_ =	sdelay $0x3  }
0xd1: {  	[tilespmem:s18+$0xDC00] =	vst v4  }
0xd2: {  	v4 =	vld.idx.msk [tilespmem:v5+s10+$0x0], $0xffff;
	_ =	sdelay $0x1  }
0xd3: {  	v5 =	vadd.s32 $0x6000, v3;
	_ =	sdelay $0x3  }
0xd4: {  	[tilespmem:s18+$0xE000] =	vst v4  }
0xd5: {  	v4 =	vld.idx.msk [tilespmem:v5+s10+$0x0], $0xffff;
	_ =	sdelay $0x1  }
0xd6: {  	v5 =	vadd.s32 $0x6400, v3;
	_ =	sdelay $0x3  }
0xd7: {  	[tilespmem:s18+$0xE400] =	vst v4  }
0xd8: {  	v4 =	vld.idx.msk [tilespmem:v5+s10+$0x0], $0xffff;
	_ =	sdelay $0x1  }
0xd9: {  	v5 =	vadd.s32 $0x6800, v3;
	_ =	sdelay $0x3  }
0xda: {  	[tilespmem:s18+$0xE800] =	vst v4  }
0xdb: {  	v4 =	vld.idx.msk [tilespmem:v5+s10+$0x0], $0xffff;
	_ =	sdelay $0x1  }
0xdc: {  	v5 =	vadd.s32 $0x6C00, v3;
	_ =	sdelay $0x3  }
0xdd: {  	[tilespmem:s18+$0xEC00] =	vst v4  }
0xde: {  	v4 =	vld.idx.msk [tilespmem:v5+s10+$0x0], $0xffff;
	_ =	sdelay $0x1  }
0xdf: {  	v5 =	vadd.s32 $0x7000, v3;
	_ =	sdelay $0x3  }
0xe0: {  	[tilespmem:s18+$0xF000] =	vst v4  }
0xe1: {  	v4 =	vld.idx.msk [tilespmem:v5+s10+$0x0], $0xffff;
	_ =	sdelay $0x1  }
0xe2: {  	v5 =	vadd.s32 $0x7400, v3;
	_ =	sdelay $0x3  }
0xe3: {  	[tilespmem:s18+$0xF400] =	vst v4  }
0xe4: {  	v4 =	vld.idx.msk [tilespmem:v5+s10+$0x0], $0xffff;
	_ =	sdelay $0x1  }
0xe5: {  	v3 =	vadd.s32 $0x7800, v3;
	_ =	sdelay $0x3  }
0xe6: {  	[tilespmem:s18+$0xF800] =	vst v4  }
0xe7: {  	v3 =	vld.idx.msk [tilespmem:v3+s10+$0x0], $0xffff;
	_ =	sdelay $0x5  }
0xe8: {  	[tilespmem:s18+$0xFC00] =	vst v3  }
0xe9: {  	v2 =	vld.idx.msk [tilespmem:v2+s10+$0x0], $0xffff;
	_ =	sdelay $0x1  }
.Ltmp2:
0xea: {  	(pc) =	sbr.rel @p1 .LBB2_2-.Ltmp2, $2  }
0xeb: {  	_ =	sdelay $0x2  }
0xec: {  	s15 =	sadd.s32 $0x10, s15;
	s16 =	sadd.s32 $0x10, s16;
	[tilespmem:s18+$0x10000] =	vst v2  }
.Ltmp3:
0xed: {  	(pc) =	sbr.rel @p0 .LBB2_11-.Ltmp3, $4  }
0xee: {  	[hbm4b:s6+s9] =	stream.strided.scatter [tilespmem:s11], [sflag:$0x1], $0x8000, s10, s9, $0x38;
	[tilespmem:$0x10880] =	vst v63  }
0xef: {  	_ =	swait.ge [sflag:s3], $0x8000  }
0xf0: {  	[sflag:s3] =	ssyncset.done $0x0  }
0xf1: {  	s15 =	simm.s32 $0x0;
	[sflag:s3] =	ssyncadd.s32 $0xFFFF8000  }
0xf2: {  	s16 =	simm.s32 $0x40;
	s17 =	simm.s32 $0x0  }
.LBB2_5:
0xf3: {  	p1 =	sne.s32 s16, $0xFC0;
	[tilespmem:s17+$0x10400] =	vst v0;
	s17 =	smov.u32 s16;
	s16 =	sadd.s32 $0x40, s16  }
.Ltmp4:
0xf4: {  	(pc) =	sbr.rel @p1 .LBB2_5-.Ltmp4, $2  }
0xf5: {  	_ =	sdelay $0x2  }
0xf6: {  	s17 =	sshra.s32 s17, $0x2  }
0xf7: {  	[tilespmem:s17+$0x10400] =	vst v0  }
.LBB2_7:
0xf8: {  	s16 =	sshra.s32 s15, $0x2  }
0xf9: {  	v2 =	vld [tilespmem:s16+$0x0];
	_ =	sdelay $0x2  }
0xfa: {  	p1 =	sne.s32 s15, $0xFC0  }
.Ltmp5:
0xfb: {  	_ = 	snop;
	(pc) =	sbr.rel @p1 .LBB2_7-.Ltmp5, $2  }
0xfc: {  	_ =	sdelay $0x2  }
0xfd: {  	s15 =	sadd.s32 $0x40, s15;
	[tilespmem:v2+s12+$0x0] =	vst.idx.msk $0xffff, v1  }
0xfe: {  	s16 =	simm.s32 $0x0  }
0xff: {  	v2 =	vimm.f32 $0.0e+00;
	s15 =	simm.s32 $0x40;
	v3 =	vld [tilespmem:s16+$0x10400]  }
.LBB2_9:
0x100: {  	p1 =	sne.s32 s15, $0xFC0  }
.Ltmp6:
0x101: {  	_ = 	snop;
	(pc) =	sbr.rel @p1 .LBB2_9-.Ltmp6, $3  }
0x102: {  	_ =	sdelay $0x1  }
0x103: {  	s16 =	sshra.s32 s15, $0x2;
	s15 =	sadd.s32 $0x40, s15;
	v2 =	vadd.f32 v3, v2  }
0x104: {  	v3 =	vld [tilespmem:s16+$0x10400]  }
.Ltmp7:
0x105: {  	_ = 	snop;
	(pc) =	sbr.rel .LBB2_10-.Ltmp7, $1  }
0x106: {  	_ =	sdelay $0x3  }
.LBB2_12:
0x107: {  	_ =	sfence.sel $0x180000  }
0x108: {  	[bflag:$0x0] =	sbarrier.arrive $0xFFFF  }
0x109: {  	p0 =	sne.s32 s0, $0x0;
	_ =	strace $0x90000047  }
0x10a: {  	s0 =	sadd.s32 @!p0 $0x100000, s1;
	[bflag:$0x2] =	sbarrier.arrive $0xFFFF  }
0x10b: {  	[sflag:s0] =	ssyncadd.tile.s32 @!p0 $0x1;
	_ =	shalt  }
.Lfunc_end2:
_tile_overlayer_lowered:
.L_overlay_start_2:
0x10c: {  	(tag) =	ssettag $0x2  }
0x10d: {  	s0 =	rddreg [dreg:$0x0];
	s2 =	stileid.u32  }
0x10e: {  	s1 =	rddreg [dreg:$0x1];
	p0 =	sne.s32 s2, $0x0  }
0x10f: {  	s3 =	rddreg [dreg:$0x2];
	[bflag:$0x3] =	sbarrier.arrive $0xFFFF;
	s2 =	simm.s32 @!p0 $0x1C01  }
0x110: {  	[timem:s3], [sflag:s2] =	dma.local @!p0 [hbm:s0], s1  }
0x111: {  	s0 =	simm.s32 @!p0 $0x1  }
0x112: {  	_ =	swait.ge @!p0 [sflag:s0], s1  }
0x113: {  	s1 =	ssub.s32 @!p0 $0x0, s1;
	[sflag:s0] =	ssyncset.done @!p0 $0x0  }
0x114: {  	[sflag:s0] =	ssyncadd.s32 @!p0 s1  }
0x115: {  	[bflag:$0x3] =	sbarrier.arrive $0xFFFF  }
0x116: {  	_ =	shalt  }

</sc_bundles>
